<compile_context>
chip_gen: v7x
topology: tpu7x:2x2x1
jax: 0.10.2.dev20260603
libtpu: 0.0.44.dev20260713+nightly
codegen_flags: <defaults>
</compile_context>

<pallas_src>
import functools

import jax
import jax.numpy as jnp
from jax import lax
from jax.experimental import pallas as pl
from jax.experimental.pallas import tpu as pltpu
from jax.experimental.pallas import tpu_sc as plsc

NUM_CORES = 2
NUM_SUBCORES = 16
LANES = 16
NW = NUM_CORES * NUM_SUBCORES

TROWS = 200
TCOLS = 16384
COLS_PER_WORKER = TCOLS // NW
CHUNK_COLS = 128
N_CHUNKS = COLS_PER_WORKER // CHUNK_COLS
VOCAB_PAD = 1024


def _make_sc_gather(vocab):
    mesh = plsc.VectorSubcoreMesh(
        core_axis_name="c", subcore_axis_name="s", num_cores=NUM_CORES
    )

    @functools.partial(
        pl.kernel,
        mesh=mesh,
        out_type=jax.ShapeDtypeStruct((TROWS, TCOLS), jnp.float32),
        scratch_types=[
            pltpu.VMEM((VOCAB_PAD,), jnp.float32),
            pltpu.VMEM((2, TROWS, CHUNK_COLS), jnp.int32),
            pltpu.VMEM((2, TROWS, CHUNK_COLS), jnp.float32),
            pltpu.SemaphoreType.DMA,
            pltpu.SemaphoreType.DMA,
            pltpu.SemaphoreType.DMA,
            pltpu.SemaphoreType.DMA,
        ],
        compiler_params=pltpu.CompilerParams(
            needs_layout_passes=False, use_tc_tiling_on_sc=True
        ),
    )
    def sc_gather(
        table_hbm, idx_hbm, out_hbm, tab_v, idx_v, val_v,
        sem_i0, sem_i1, sem_o0, sem_o1,
    ):
        sem_i = (sem_i0, sem_i1)
        sem_o = (sem_o0, sem_o1)
        wid = lax.axis_index("s") * NUM_CORES + lax.axis_index("c")
        base = wid * COLS_PER_WORKER

        def start_in(c):
            c0 = base + c * CHUNK_COLS
            return pltpu.async_copy(
                idx_hbm.at[:, pl.ds(c0, CHUNK_COLS)],
                idx_v.at[c % 2],
                sem_i[c % 2],
            )

        def start_out(c):
            c0 = base + c * CHUNK_COLS
            return pltpu.async_copy(
                val_v.at[c % 2],
                out_hbm.at[:, pl.ds(c0, CHUNK_COLS)],
                sem_o[c % 2],
            )

        in_dma = {0: start_in(0)}
        out_dma = {}
        pltpu.sync_copy(table_hbm, tab_v.at[pl.ds(0, vocab)])
        for c in range(N_CHUNKS):
            b = c % 2
            if c + 1 < N_CHUNKS:
                in_dma[c + 1] = start_in(c + 1)
            in_dma[c].wait()
            if c >= 2:
                out_dma[c - 2].wait()
            idx_b = idx_v.at[b]
            val_b = val_v.at[b]

            def gather_row(r):
                for k in range(CHUNK_COLS // LANES):
                    iv = idx_b[r, pl.ds(k * LANES, LANES)]
                    val_b[r, pl.ds(k * LANES, LANES)] = plsc.load_gather(
                        tab_v, [iv]
                    )

            plsc.parallel_loop(0, TROWS, unroll=1)(gather_row)
            out_dma[c] = start_out(c)
        out_dma[N_CHUNKS - 2].wait()
        out_dma[N_CHUNKS - 1].wait()

    return sc_gather


_sc_gather_1000 = _make_sc_gather(1000)


def kernel(index, names_table):
    out_t = _sc_gather_1000(names_table, index.T)
    return out_t.T

# --- scband reference (transcript-rebuilt; emitter-appended) ---
"""Pipeline reference for scband-index-to-name-6270652253013 (READ-ONLY COPY).

The authoritative reference and input builder live on the scoring server;
editing this copy changes nothing except your own understanding.
"""

import jax, jax.numpy as jnp
import numpy as np

VOCAB = 1000
BATCH = 16384
HIST = 200

def setup_inputs(seed: int = 0) -> dict:
    key = jax.random.key(seed)
    k1, _ = jax.random.split(key)
    # forward arg: index int tensor [B, L], values in [0, VOCAB)
    index = jax.random.randint(k1, (BATCH, HIST), 0, VOCAB, dtype=jnp.int32)
    # 'learned parameter' analog: idx_to_name mapping materialized as a numeric
    # name-code table of size VOCAB (names encoded as float codes, one per class).
    names_table = jnp.arange(VOCAB, dtype=jnp.float32)
    return {"index": index, "names_table": names_table}

def reference(index, names_table):
    # index_to_name(index, idx_to_name): pure gather from the mapping table.
    # Equivalent to [idx_to_name[i] for i in index.flatten()], vectorized.
    return jnp.take(names_table, index, axis=0)

if __name__ == "__main__":
    import jax
    _d = setup_inputs()
    print(jax.jit(kernel)(*tuple(_d.values())))

</pallas_src>

<mosaic_0001>
#map = affine_map<(d0, d1) -> (0)>
#map1 = affine_map<(d0, d1) -> (0, 0)>
module attributes {stable_mosaic.version = 14 : i64} {
  func.func @sc_gather(%arg0: i32, %arg1: i32, %arg2: memref<1000xf32, #tpu.memory_space<hbm>>, %arg3: memref<200x16384xi32, #tpu.memory_space<hbm>>, %arg4: memref<200x16384xf32, #tpu.memory_space<hbm>>, %arg5: memref<1024xf32, #tpu.memory_space<vmem>>, %arg6: memref<2x200x128xi32, #tpu.memory_space<vmem>>, %arg7: memref<2x200x128xf32, #tpu.memory_space<vmem>>, %arg8: memref<!tpu.dma_semaphore, #tpu.memory_space<semaphore_mem>>, %arg9: memref<!tpu.dma_semaphore, #tpu.memory_space<semaphore_mem>>, %arg10: memref<!tpu.dma_semaphore, #tpu.memory_space<semaphore_mem>>, %arg11: memref<!tpu.dma_semaphore, #tpu.memory_space<semaphore_mem>>) attributes {dimension_semantics = [#tpu.dimension_semantics<core_parallel>, #tpu.dimension_semantics<subcore_parallel>], iteration_bounds = array<i64: 2, 16>, scalar_prefetch = 0 : i64, scratch_operands = 7 : i64, tpu.core_type = #tpu.core_type<sc_vector_subcore>, window_params = [{transform_indices = #map}, {transform_indices = #map1}, {transform_indices = #map1}]} {
    %mul3A = arith.constant 2 : i32
    %mul3A_0 = arith.muli %arg1, %mul3A : i32
    %add3A = arith.addi %mul3A_0, %arg0 : i32
    %mul3A_1 = arith.constant 512 : i32
    %mul3A_2 = arith.muli %add3A, %mul3A_1 : i32
    %add3A_3 = arith.constant 0 : i32
    %add3A_4 = arith.addi %mul3A_2, %add3A_3 : i32
    %dma_start3A = arith.constant 0 : i32
    %dma_start3A_5 = arith.constant 0 : i32
    %dma_start3A_6 = arith.constant 0 : i32
    %dma_start3A_7 = tpu.memref_slice %arg6[%dma_start3A, %dma_start3A_5, %dma_start3A_6] : memref<2x200x128xi32, #tpu.memory_space<vmem>> -> memref<1x200x128xi32, #tpu.memory_space<vmem>>
    %dma_start3A_8 = tpu.memref_squeeze %dma_start3A_7 : memref<1x200x128xi32, #tpu.memory_space<vmem>> -> memref<200x128xi32, #tpu.memory_space<vmem>>
    %dma_start3A_9 = arith.constant 0 : i32
    %dma_start3A_10 = tpu.memref_slice %arg3[%dma_start3A_9, %add3A_4] : memref<200x16384xi32, #tpu.memory_space<hbm>> -> memref<200x128xi32, #tpu.memory_space<hbm>>
    %dma_start3A_11 = arith.constant 0 : i32
    %dma_start3A_12 = arith.constant 0 : i32
    %dma_start3A_13 = tpu.memref_slice %arg6[%dma_start3A, %dma_start3A_11, %dma_start3A_12] : memref<2x200x128xi32, #tpu.memory_space<vmem>> -> memref<1x200x128xi32, #tpu.memory_space<vmem>>
    %dma_start3A_14 = tpu.memref_squeeze %dma_start3A_13 : memref<1x200x128xi32, #tpu.memory_space<vmem>> -> memref<200x128xi32, #tpu.memory_space<vmem>>
    %dma_start3A_15 = arith.constant 0 : i32
    %dma_start3A_16 = tpu.memref_slice %arg3[%dma_start3A_15, %add3A_4] : memref<200x16384xi32, #tpu.memory_space<hbm>> -> memref<200x128xi32, #tpu.memory_space<hbm>>
    tpu.enqueue_dma source(%dma_start3A_16 : memref<200x128xi32, #tpu.memory_space<hbm>>) target(%dma_start3A_14 : memref<200x128xi32, #tpu.memory_space<vmem>>) target_semaphore(%arg8 : memref<!tpu.dma_semaphore, #tpu.memory_space<semaphore_mem>>)
    "tpu.region"() ({
      %run_scoped3A = tpu.sem_alloc : memref<!tpu.dma_semaphore, #tpu.memory_space<semaphore_mem>>
      %dma_start3A_244 = arith.constant 0 : i32
      %dma_start3A_245 = tpu.memref_slice %arg5[%dma_start3A_244] : memref<1024xf32, #tpu.memory_space<vmem>> -> memref<1000xf32, #tpu.memory_space<vmem>>
      %dma_start3A_246 = arith.constant 0 : i32
      %dma_start3A_247 = tpu.memref_slice %arg5[%dma_start3A_246] : memref<1024xf32, #tpu.memory_space<vmem>> -> memref<1000xf32, #tpu.memory_space<vmem>>
      tpu.enqueue_dma source(%arg2 : memref<1000xf32, #tpu.memory_space<hbm>>) target(%dma_start3A_247 : memref<1000xf32, #tpu.memory_space<vmem>>) target_semaphore(%run_scoped3A : memref<!tpu.dma_semaphore, #tpu.memory_space<semaphore_mem>>)
      %dma_wait3A_248 = arith.constant 0 : i32
      %dma_wait3A_249 = tpu.memref_slice %arg5[%dma_wait3A_248] : memref<1024xf32, #tpu.memory_space<vmem>> -> memref<1000xf32, #tpu.memory_space<vmem>>
      %dma_wait3A_250 = arith.constant 0 : i32
      %dma_wait3A_251 = tpu.memref_slice %arg5[%dma_wait3A_250] : memref<1024xf32, #tpu.memory_space<vmem>> -> memref<1000xf32, #tpu.memory_space<vmem>>
      tpu.wait_dma2 semaphore(%run_scoped3A : memref<!tpu.dma_semaphore, #tpu.memory_space<semaphore_mem>>) src(%arg2 : memref<1000xf32, #tpu.memory_space<hbm>>) dst(%dma_wait3A_251 : memref<1000xf32, #tpu.memory_space<vmem>>)
      tpu.yield
    }) : () -> ()
    %add3A_17 = arith.constant 128 : i32
    %add3A_18 = arith.addi %mul3A_2, %add3A_17 : i32
    %dma_start3A_19 = arith.constant 1 : i32
    %dma_start3A_20 = arith.constant 0 : i32
    %dma_start3A_21 = arith.constant 0 : i32
    %dma_start3A_22 = tpu.memref_slice %arg6[%dma_start3A_19, %dma_start3A_20, %dma_start3A_21] : memref<2x200x128xi32, #tpu.memory_space<vmem>> -> memref<1x200x128xi32, #tpu.memory_space<vmem>>
    %dma_start3A_23 = tpu.memref_squeeze %dma_start3A_22 : memref<1x200x128xi32, #tpu.memory_space<vmem>> -> memref<200x128xi32, #tpu.memory_space<vmem>>
    %dma_start3A_24 = arith.constant 0 : i32
    %dma_start3A_25 = tpu.memref_slice %arg3[%dma_start3A_24, %add3A_18] : memref<200x16384xi32, #tpu.memory_space<hbm>> -> memref<200x128xi32, #tpu.memory_space<hbm>>
    %dma_start3A_26 = arith.constant 0 : i32
    %dma_start3A_27 = arith.constant 0 : i32
    %dma_start3A_28 = tpu.memref_slice %arg6[%dma_start3A_19, %dma_start3A_26, %dma_start3A_27] : memref<2x200x128xi32, #tpu.memory_space<vmem>> -> memref<1x200x128xi32, #tpu.memory_space<vmem>>
    %dma_start3A_29 = tpu.memref_squeeze %dma_start3A_28 : memref<1x200x128xi32, #tpu.memory_space<vmem>> -> memref<200x128xi32, #tpu.memory_space<vmem>>
    %dma_start3A_30 = arith.constant 0 : i32
    %dma_start3A_31 = tpu.memref_slice %arg3[%dma_start3A_30, %add3A_18] : memref<200x16384xi32, #tpu.memory_space<hbm>> -> memref<200x128xi32, #tpu.memory_space<hbm>>
    tpu.enqueue_dma source(%dma_start3A_31 : memref<200x128xi32, #tpu.memory_space<hbm>>) target(%dma_start3A_29 : memref<200x128xi32, #tpu.memory_space<vmem>>) target_semaphore(%arg9 : memref<!tpu.dma_semaphore, #tpu.memory_space<semaphore_mem>>)
    %dma_wait3A = arith.constant 0 : i32
    %dma_wait3A_32 = arith.constant 0 : i32
    %dma_wait3A_33 = arith.constant 0 : i32
    %dma_wait3A_34 = tpu.memref_slice %arg6[%dma_wait3A, %dma_wait3A_32, %dma_wait3A_33] : memref<2x200x128xi32, #tpu.memory_space<vmem>> -> memref<1x200x128xi32, #tpu.memory_space<vmem>>
    %dma_wait3A_35 = tpu.memref_squeeze %dma_wait3A_34 : memref<1x200x128xi32, #tpu.memory_space<vmem>> -> memref<200x128xi32, #tpu.memory_space<vmem>>
    %dma_wait3A_36 = arith.constant 0 : i32
    %dma_wait3A_37 = tpu.memref_slice %arg3[%dma_wait3A_36, %add3A_4] : memref<200x16384xi32, #tpu.memory_space<hbm>> -> memref<200x128xi32, #tpu.memory_space<hbm>>
    %dma_wait3A_38 = arith.constant 0 : i32
    %dma_wait3A_39 = arith.constant 0 : i32
    %dma_wait3A_40 = tpu.memref_slice %arg6[%dma_wait3A, %dma_wait3A_38, %dma_wait3A_39] : memref<2x200x128xi32, #tpu.memory_space<vmem>> -> memref<1x200x128xi32, #tpu.memory_space<vmem>>
    %dma_wait3A_41 = tpu.memref_squeeze %dma_wait3A_40 : memref<1x200x128xi32, #tpu.memory_space<vmem>> -> memref<200x128xi32, #tpu.memory_space<vmem>>
    %dma_wait3A_42 = arith.constant 0 : i32
    %dma_wait3A_43 = tpu.memref_slice %arg3[%dma_wait3A_42, %add3A_4] : memref<200x16384xi32, #tpu.memory_space<hbm>> -> memref<200x128xi32, #tpu.memory_space<hbm>>
    tpu.wait_dma2 semaphore(%arg8 : memref<!tpu.dma_semaphore, #tpu.memory_space<semaphore_mem>>) src(%dma_wait3A_43 : memref<200x128xi32, #tpu.memory_space<hbm>>) dst(%dma_wait3A_41 : memref<200x128xi32, #tpu.memory_space<vmem>>)
    %parallel_loop3A = arith.constant 0 : i32
    %parallel_loop3A_44 = arith.constant 200 : i32
    %parallel_loop3A_45 = arith.constant 1 : i32
    %parallel_loop3A_46 = arith.constant 0 : i32
    %parallel_loop3A_47 = arith.constant 0 : i32
    scf.for %parallel_loop3A_244 = %parallel_loop3A to %parallel_loop3A_44 step %parallel_loop3A_45  : i32 {
      %parallel_loop3A_245 = arith.constant 0 : i32
      %parallel_loop3A_246 = arith.constant 0 : i32
      %parallel_loop3A_247 = tpu.memref_slice %arg6[%parallel_loop3A_46, %parallel_loop3A_245, %parallel_loop3A_246] : memref<2x200x128xi32, #tpu.memory_space<vmem>> -> memref<1x200x128xi32, #tpu.memory_space<vmem>>
      %parallel_loop3A_248 = tpu.memref_squeeze %parallel_loop3A_247 : memref<1x200x128xi32, #tpu.memory_space<vmem>> -> memref<200x128xi32, #tpu.memory_space<vmem>>
      %parallel_loop3A_249 = arith.index_cast %parallel_loop3A_244 : i32 to index
      %parallel_loop3A_250 = arith.constant 0 : index
      %parallel_loop3A_251 = tpu.vector_load %parallel_loop3A_248[%parallel_loop3A_249, %parallel_loop3A_250] {strides = array<i32>} : memref<200x128xi32, #tpu.memory_space<vmem>>, vector<16xi32>,
      %parallel_loop3A_252 = tpu.vector_load_idx %arg5[%parallel_loop3A_251] : memref<1024xf32, #tpu.memory_space<vmem>>[vector<16xi32>], vector<16xf32>,
      %parallel_loop3A_253 = arith.constant 0 : i32
      %parallel_loop3A_254 = arith.constant 0 : i32
      %parallel_loop3A_255 = tpu.memref_slice %arg7[%parallel_loop3A_47, %parallel_loop3A_253, %parallel_loop3A_254] : memref<2x200x128xf32, #tpu.memory_space<vmem>> -> memref<1x200x128xf32, #tpu.memory_space<vmem>>
      %parallel_loop3A_256 = tpu.memref_squeeze %parallel_loop3A_255 : memref<1x200x128xf32, #tpu.memory_space<vmem>> -> memref<200x128xf32, #tpu.memory_space<vmem>>
      %parallel_loop3A_257 = arith.index_cast %parallel_loop3A_244 : i32 to index
      %parallel_loop3A_258 = arith.constant 0 : index
      %parallel_loop3A_259 = tpu.vector_load %parallel_loop3A_256[%parallel_loop3A_257, %parallel_loop3A_258] {strides = array<i32>} : memref<200x128xf32, #tpu.memory_space<vmem>>, vector<16xf32>,
      tpu.vector_store %parallel_loop3A_256[%parallel_loop3A_257, %parallel_loop3A_258], %parallel_loop3A_252 {strides = array<i32>} : memref<200x128xf32, #tpu.memory_space<vmem>>, vector<16xf32>,
      %parallel_loop3A_260 = arith.constant 0 : i32
      %parallel_loop3A_261 = arith.constant 0 : i32
      %parallel_loop3A_262 = tpu.memref_slice %arg6[%parallel_loop3A_46, %parallel_loop3A_260, %parallel_loop3A_261] : memref<2x200x128xi32, #tpu.memory_space<vmem>> -> memref<1x200x128xi32, #tpu.memory_space<vmem>>
      %parallel_loop3A_263 = tpu.memref_squeeze %parallel_loop3A_262 : memref<1x200x128xi32, #tpu.memory_space<vmem>> -> memref<200x128xi32, #tpu.memory_space<vmem>>
      %parallel_loop3A_264 = arith.index_cast %parallel_loop3A_244 : i32 to index
      %parallel_loop3A_265 = arith.constant 16 : index
      %parallel_loop3A_266 = tpu.vector_load %parallel_loop3A_263[%parallel_loop3A_264, %parallel_loop3A_265] {strides = array<i32>} : memref<200x128xi32, #tpu.memory_space<vmem>>, vector<16xi32>,
      %parallel_loop3A_267 = tpu.vector_load_idx %arg5[%parallel_loop3A_266] : memref<1024xf32, #tpu.memory_space<vmem>>[vector<16xi32>], vector<16xf32>,
      %parallel_loop3A_268 = arith.constant 0 : i32
      %parallel_loop3A_269 = arith.constant 0 : i32
      %parallel_loop3A_270 = tpu.memref_slice %arg7[%parallel_loop3A_47, %parallel_loop3A_268, %parallel_loop3A_269] : memref<2x200x128xf32, #tpu.memory_space<vmem>> -> memref<1x200x128xf32, #tpu.memory_space<vmem>>
      %parallel_loop3A_271 = tpu.memref_squeeze %parallel_loop3A_270 : memref<1x200x128xf32, #tpu.memory_space<vmem>> -> memref<200x128xf32, #tpu.memory_space<vmem>>
      %parallel_loop3A_272 = arith.index_cast %parallel_loop3A_244 : i32 to index
      %parallel_loop3A_273 = arith.constant 16 : index
      %parallel_loop3A_274 = tpu.vector_load %parallel_loop3A_271[%parallel_loop3A_272, %parallel_loop3A_273] {strides = array<i32>} : memref<200x128xf32, #tpu.memory_space<vmem>>, vector<16xf32>,
      tpu.vector_store %parallel_loop3A_271[%parallel_loop3A_272, %parallel_loop3A_273], %parallel_loop3A_267 {strides = array<i32>} : memref<200x128xf32, #tpu.memory_space<vmem>>, vector<16xf32>,
      %parallel_loop3A_275 = arith.constant 0 : i32
      %parallel_loop3A_276 = arith.constant 0 : i32
      %parallel_loop3A_277 = tpu.memref_slice %arg6[%parallel_loop3A_46, %parallel_loop3A_275, %parallel_loop3A_276] : memref<2x200x128xi32, #tpu.memory_space<vmem>> -> memref<1x200x128xi32, #tpu.memory_space<vmem>>
      %parallel_loop3A_278 = tpu.memref_squeeze %parallel_loop3A_277 : memref<1x200x128xi32, #tpu.memory_space<vmem>> -> memref<200x128xi32, #tpu.memory_space<vmem>>
      %parallel_loop3A_279 = arith.index_cast %parallel_loop3A_244 : i32 to index
      %parallel_loop3A_280 = arith.constant 32 : index
      %parallel_loop3A_281 = tpu.vector_load %parallel_loop3A_278[%parallel_loop3A_279, %parallel_loop3A_280] {strides = array<i32>} : memref<200x128xi32, #tpu.memory_space<vmem>>, vector<16xi32>,
      %parallel_loop3A_282 = tpu.vector_load_idx %arg5[%parallel_loop3A_281] : memref<1024xf32, #tpu.memory_space<vmem>>[vector<16xi32>], vector<16xf32>,
      %parallel_loop3A_283 = arith.constant 0 : i32
      %parallel_loop3A_284 = arith.constant 0 : i32
      %parallel_loop3A_285 = tpu.memref_slice %arg7[%parallel_loop3A_47, %parallel_loop3A_283, %parallel_loop3A_284] : memref<2x200x128xf32, #tpu.memory_space<vmem>> -> memref<1x200x128xf32, #tpu.memory_space<vmem>>
      %parallel_loop3A_286 = tpu.memref_squeeze %parallel_loop3A_285 : memref<1x200x128xf32, #tpu.memory_space<vmem>> -> memref<200x128xf32, #tpu.memory_space<vmem>>
      %parallel_loop3A_287 = arith.index_cast %parallel_loop3A_244 : i32 to index
      %parallel_loop3A_288 = arith.constant 32 : index
      %parallel_loop3A_289 = tpu.vector_load %parallel_loop3A_286[%parallel_loop3A_287, %parallel_loop3A_288] {strides = array<i32>} : memref<200x128xf32, #tpu.memory_space<vmem>>, vector<16xf32>,
      tpu.vector_store %parallel_loop3A_286[%parallel_loop3A_287, %parallel_loop3A_288], %parallel_loop3A_282 {strides = array<i32>} : memref<200x128xf32, #tpu.memory_space<vmem>>, vector<16xf32>,
      %parallel_loop3A_290 = arith.constant 0 : i32
      %parallel_loop3A_291 = arith.constant 0 : i32
      %parallel_loop3A_292 = tpu.memref_slice %arg6[%parallel_loop3A_46, %parallel_loop3A_290, %parallel_loop3A_291] : memref<2x200x128xi32, #tpu.memory_space<vmem>> -> memref<1x200x128xi32, #tpu.memory_space<vmem>>
      %parallel_loop3A_293 = tpu.memref_squeeze %parallel_loop3A_292 : memref<1x200x128xi32, #tpu.memory_space<vmem>> -> memref<200x128xi32, #tpu.memory_space<vmem>>
      %parallel_loop3A_294 = arith.index_cast %parallel_loop3A_244 : i32 to index
      %parallel_loop3A_295 = arith.constant 48 : index
      %parallel_loop3A_296 = tpu.vector_load %parallel_loop3A_293[%parallel_loop3A_294, %parallel_loop3A_295] {strides = array<i32>} : memref<200x128xi32, #tpu.memory_space<vmem>>, vector<16xi32>,
      %parallel_loop3A_297 = tpu.vector_load_idx %arg5[%parallel_loop3A_296] : memref<1024xf32, #tpu.memory_space<vmem>>[vector<16xi32>], vector<16xf32>,
      %parallel_loop3A_298 = arith.constant 0 : i32
      %parallel_loop3A_299 = arith.constant 0 : i32
      %parallel_loop3A_300 = tpu.memref_slice %arg7[%parallel_loop3A_47, %parallel_loop3A_298, %parallel_loop3A_299] : memref<2x200x128xf32, #tpu.memory_space<vmem>> -> memref<1x200x128xf32, #tpu.memory_space<vmem>>
      %parallel_loop3A_301 = tpu.memref_squeeze %parallel_loop3A_300 : memref<1x200x128xf32, #tpu.memory_space<vmem>> -> memref<200x128xf32, #tpu.memory_space<vmem>>
      %parallel_loop3A_302 = arith.index_cast %parallel_loop3A_244 : i32 to index
      %parallel_loop3A_303 = arith.constant 48 : index
      %parallel_loop3A_304 = tpu.vector_load %parallel_loop3A_301[%parallel_loop3A_302, %parallel_loop3A_303] {strides = array<i32>} : memref<200x128xf32, #tpu.memory_space<vmem>>, vector<16xf32>,
      tpu.vector_store %parallel_loop3A_301[%parallel_loop3A_302, %parallel_loop3A_303], %parallel_loop3A_297 {strides = array<i32>} : memref<200x128xf32, #tpu.memory_space<vmem>>, vector<16xf32>,
      %parallel_loop3A_305 = arith.constant 0 : i32
      %parallel_loop3A_306 = arith.constant 0 : i32
      %parallel_loop3A_307 = tpu.memref_slice %arg6[%parallel_loop3A_46, %parallel_loop3A_305, %parallel_loop3A_306] : memref<2x200x128xi32, #tpu.memory_space<vmem>> -> memref<1x200x128xi32, #tpu.memory_space<vmem>>
      %parallel_loop3A_308 = tpu.memref_squeeze %parallel_loop3A_307 : memref<1x200x128xi32, #tpu.memory_space<vmem>> -> memref<200x128xi32, #tpu.memory_space<vmem>>
      %parallel_loop3A_309 = arith.index_cast %parallel_loop3A_244 : i32 to index
      %parallel_loop3A_310 = arith.constant 64 : index
      %parallel_loop3A_311 = tpu.vector_load %parallel_loop3A_308[%parallel_loop3A_309, %parallel_loop3A_310] {strides = array<i32>} : memref<200x128xi32, #tpu.memory_space<vmem>>, vector<16xi32>,
      %parallel_loop3A_312 = tpu.vector_load_idx %arg5[%parallel_loop3A_311] : memref<1024xf32, #tpu.memory_space<vmem>>[vector<16xi32>], vector<16xf32>,
      %parallel_loop3A_313 = arith.constant 0 : i32
      %parallel_loop3A_314 = arith.constant 0 : i32
      %parallel_loop3A_315 = tpu.memref_slice %arg7[%parallel_loop3A_47, %parallel_loop3A_313, %parallel_loop3A_314] : memref<2x200x128xf32, #tpu.memory_space<vmem>> -> memref<1x200x128xf32, #tpu.memory_space<vmem>>
      %parallel_loop3A_316 = tpu.memref_squeeze %parallel_loop3A_315 : memref<1x200x128xf32, #tpu.memory_space<vmem>> -> memref<200x128xf32, #tpu.memory_space<vmem>>
      %parallel_loop3A_317 = arith.index_cast %parallel_loop3A_244 : i32 to index
      %parallel_loop3A_318 = arith.constant 64 : index
      %parallel_loop3A_319 = tpu.vector_load %parallel_loop3A_316[%parallel_loop3A_317, %parallel_loop3A_318] {strides = array<i32>} : memref<200x128xf32, #tpu.memory_space<vmem>>, vector<16xf32>,
      tpu.vector_store %parallel_loop3A_316[%parallel_loop3A_317, %parallel_loop3A_318], %parallel_loop3A_312 {strides = array<i32>} : memref<200x128xf32, #tpu.memory_space<vmem>>, vector<16xf32>,
      %parallel_loop3A_320 = arith.constant 0 : i32
      %parallel_loop3A_321 = arith.constant 0 : i32
      %parallel_loop3A_322 = tpu.memref_slice %arg6[%parallel_loop3A_46, %parallel_loop3A_320, %parallel_loop3A_321] : memref<2x200x128xi32, #tpu.memory_space<vmem>> -> memref<1x200x128xi32, #tpu.memory_space<vmem>>
      %parallel_loop3A_323 = tpu.memref_squeeze %parallel_loop3A_322 : memref<1x200x128xi32, #tpu.memory_space<vmem>> -> memref<200x128xi32, #tpu.memory_space<vmem>>
      %parallel_loop3A_324 = arith.index_cast %parallel_loop3A_244 : i32 to index
      %parallel_loop3A_325 = arith.constant 80 : index
      %parallel_loop3A_326 = tpu.vector_load %parallel_loop3A_323[%parallel_loop3A_324, %parallel_loop3A_325] {strides = array<i32>} : memref<200x128xi32, #tpu.memory_space<vmem>>, vector<16xi32>,
      %parallel_loop3A_327 = tpu.vector_load_idx %arg5[%parallel_loop3A_326] : memref<1024xf32, #tpu.memory_space<vmem>>[vector<16xi32>], vector<16xf32>,
      %parallel_loop3A_328 = arith.constant 0 : i32
      %parallel_loop3A_329 = arith.constant 0 : i32
      %parallel_loop3A_330 = tpu.memref_slice %arg7[%parallel_loop3A_47, %parallel_loop3A_328, %parallel_loop3A_329] : memref<2x200x128xf32, #tpu.memory_space<vmem>> -> memref<1x200x128xf32, #tpu.memory_space<vmem>>
      %parallel_loop3A_331 = tpu.memref_squeeze %parallel_loop3A_330 : memref<1x200x128xf32, #tpu.memory_space<vmem>> -> memref<200x128xf32, #tpu.memory_space<vmem>>
      %parallel_loop3A_332 = arith.index_cast %parallel_loop3A_244 : i32 to index
      %parallel_loop3A_333 = arith.constant 80 : index
      %parallel_loop3A_334 = tpu.vector_load %parallel_loop3A_331[%parallel_loop3A_332, %parallel_loop3A_333] {strides = array<i32>} : memref<200x128xf32, #tpu.memory_space<vmem>>, vector<16xf32>,
      tpu.vector_store %parallel_loop3A_331[%parallel_loop3A_332, %parallel_loop3A_333], %parallel_loop3A_327 {strides = array<i32>} : memref<200x128xf32, #tpu.memory_space<vmem>>, vector<16xf32>,
      %parallel_loop3A_335 = arith.constant 0 : i32
      %parallel_loop3A_336 = arith.constant 0 : i32
      %parallel_loop3A_337 = tpu.memref_slice %arg6[%parallel_loop3A_46, %parallel_loop3A_335, %parallel_loop3A_336] : memref<2x200x128xi32, #tpu.memory_space<vmem>> -> memref<1x200x128xi32, #tpu.memory_space<vmem>>
      %parallel_loop3A_338 = tpu.memref_squeeze %parallel_loop3A_337 : memref<1x200x128xi32, #tpu.memory_space<vmem>> -> memref<200x128xi32, #tpu.memory_space<vmem>>
      %parallel_loop3A_339 = arith.index_cast %parallel_loop3A_244 : i32 to index
      %parallel_loop3A_340 = arith.constant 96 : index
      %parallel_loop3A_341 = tpu.vector_load %parallel_loop3A_338[%parallel_loop3A_339, %parallel_loop3A_340] {strides = array<i32>} : memref<200x128xi32, #tpu.memory_space<vmem>>, vector<16xi32>,
      %parallel_loop3A_342 = tpu.vector_load_idx %arg5[%parallel_loop3A_341] : memref<1024xf32, #tpu.memory_space<vmem>>[vector<16xi32>], vector<16xf32>,
      %parallel_loop3A_343 = arith.constant 0 : i32
      %parallel_loop3A_344 = arith.constant 0 : i32
      %parallel_loop3A_345 = tpu.memref_slice %arg7[%parallel_loop3A_47, %parallel_loop3A_343, %parallel_loop3A_344] : memref<2x200x128xf32, #tpu.memory_space<vmem>> -> memref<1x200x128xf32, #tpu.memory_space<vmem>>
      %parallel_loop3A_346 = tpu.memref_squeeze %parallel_loop3A_345 : memref<1x200x128xf32, #tpu.memory_space<vmem>> -> memref<200x128xf32, #tpu.memory_space<vmem>>
      %parallel_loop3A_347 = arith.index_cast %parallel_loop3A_244 : i32 to index
      %parallel_loop3A_348 = arith.constant 96 : index
      %parallel_loop3A_349 = tpu.vector_load %parallel_loop3A_346[%parallel_loop3A_347, %parallel_loop3A_348] {strides = array<i32>} : memref<200x128xf32, #tpu.memory_space<vmem>>, vector<16xf32>,
      tpu.vector_store %parallel_loop3A_346[%parallel_loop3A_347, %parallel_loop3A_348], %parallel_loop3A_342 {strides = array<i32>} : memref<200x128xf32, #tpu.memory_space<vmem>>, vector<16xf32>,
      %parallel_loop3A_350 = arith.constant 0 : i32
      %parallel_loop3A_351 = arith.constant 0 : i32
      %parallel_loop3A_352 = tpu.memref_slice %arg6[%parallel_loop3A_46, %parallel_loop3A_350, %parallel_loop3A_351] : memref<2x200x128xi32, #tpu.memory_space<vmem>> -> memref<1x200x128xi32, #tpu.memory_space<vmem>>
      %parallel_loop3A_353 = tpu.memref_squeeze %parallel_loop3A_352 : memref<1x200x128xi32, #tpu.memory_space<vmem>> -> memref<200x128xi32, #tpu.memory_space<vmem>>
      %parallel_loop3A_354 = arith.index_cast %parallel_loop3A_244 : i32 to index
      %parallel_loop3A_355 = arith.constant 112 : index
      %parallel_loop3A_356 = tpu.vector_load %parallel_loop3A_353[%parallel_loop3A_354, %parallel_loop3A_355] {strides = array<i32>} : memref<200x128xi32, #tpu.memory_space<vmem>>, vector<16xi32>,
      %parallel_loop3A_357 = tpu.vector_load_idx %arg5[%parallel_loop3A_356] : memref<1024xf32, #tpu.memory_space<vmem>>[vector<16xi32>], vector<16xf32>,
      %parallel_loop3A_358 = arith.constant 0 : i32
      %parallel_loop3A_359 = arith.constant 0 : i32
      %parallel_loop3A_360 = tpu.memref_slice %arg7[%parallel_loop3A_47, %parallel_loop3A_358, %parallel_loop3A_359] : memref<2x200x128xf32, #tpu.memory_space<vmem>> -> memref<1x200x128xf32, #tpu.memory_space<vmem>>
      %parallel_loop3A_361 = tpu.memref_squeeze %parallel_loop3A_360 : memref<1x200x128xf32, #tpu.memory_space<vmem>> -> memref<200x128xf32, #tpu.memory_space<vmem>>
      %parallel_loop3A_362 = arith.index_cast %parallel_loop3A_244 : i32 to index
      %parallel_loop3A_363 = arith.constant 112 : index
      %parallel_loop3A_364 = tpu.vector_load %parallel_loop3A_361[%parallel_loop3A_362, %parallel_loop3A_363] {strides = array<i32>} : memref<200x128xf32, #tpu.memory_space<vmem>>, vector<16xf32>,
      tpu.vector_store %parallel_loop3A_361[%parallel_loop3A_362, %parallel_loop3A_363], %parallel_loop3A_357 {strides = array<i32>} : memref<200x128xf32, #tpu.memory_space<vmem>>, vector<16xf32>,
    } {sc.loop_unroll_factor = 1 : i64, sc.parallel_access}
    %add3A_48 = arith.constant 0 : i32
    %add3A_49 = arith.addi %mul3A_2, %add3A_48 : i32
    %dma_start3A_50 = arith.constant 0 : i32
    %dma_start3A_51 = arith.constant 0 : i32
    %dma_start3A_52 = arith.constant 0 : i32
    %dma_start3A_53 = tpu.memref_slice %arg7[%dma_start3A_50, %dma_start3A_51, %dma_start3A_52] : memref<2x200x128xf32, #tpu.memory_space<vmem>> -> memref<1x200x128xf32, #tpu.memory_space<vmem>>
    %dma_start3A_54 = tpu.memref_squeeze %dma_start3A_53 : memref<1x200x128xf32, #tpu.memory_space<vmem>> -> memref<200x128xf32, #tpu.memory_space<vmem>>
    %dma_start3A_55 = arith.constant 0 : i32
    %dma_start3A_56 = tpu.memref_slice %arg4[%dma_start3A_55, %add3A_49] : memref<200x16384xf32, #tpu.memory_space<hbm>> -> memref<200x128xf32, #tpu.memory_space<hbm>>
    %dma_start3A_57 = arith.constant 0 : i32
    %dma_start3A_58 = tpu.memref_slice %arg4[%dma_start3A_57, %add3A_49] : memref<200x16384xf32, #tpu.memory_space<hbm>> -> memref<200x128xf32, #tpu.memory_space<hbm>>
    %dma_start3A_59 = arith.constant 0 : i32
    %dma_start3A_60 = arith.constant 0 : i32
    %dma_start3A_61 = tpu.memref_slice %arg7[%dma_start3A_50, %dma_start3A_59, %dma_start3A_60] : memref<2x200x128xf32, #tpu.memory_space<vmem>> -> memref<1x200x128xf32, #tpu.memory_space<vmem>>
    %dma_start3A_62 = tpu.memref_squeeze %dma_start3A_61 : memref<1x200x128xf32, #tpu.memory_space<vmem>> -> memref<200x128xf32, #tpu.memory_space<vmem>>
    tpu.enqueue_dma source(%dma_start3A_62 : memref<200x128xf32, #tpu.memory_space<vmem>>) target(%dma_start3A_58 : memref<200x128xf32, #tpu.memory_space<hbm>>) target_semaphore(%arg10 : memref<!tpu.dma_semaphore, #tpu.memory_space<semaphore_mem>>)
    %add3A_63 = arith.constant 256 : i32
    %add3A_64 = arith.addi %mul3A_2, %add3A_63 : i32
    %dma_start3A_65 = arith.constant 0 : i32
    %dma_start3A_66 = arith.constant 0 : i32
    %dma_start3A_67 = arith.constant 0 : i32
    %dma_start3A_68 = tpu.memref_slice %arg6[%dma_start3A_65, %dma_start3A_66, %dma_start3A_67] : memref<2x200x128xi32, #tpu.memory_space<vmem>> -> memref<1x200x128xi32, #tpu.memory_space<vmem>>
    %dma_start3A_69 = tpu.memref_squeeze %dma_start3A_68 : memref<1x200x128xi32, #tpu.memory_space<vmem>> -> memref<200x128xi32, #tpu.memory_space<vmem>>
    %dma_start3A_70 = arith.constant 0 : i32
    %dma_start3A_71 = tpu.memref_slice %arg3[%dma_start3A_70, %add3A_64] : memref<200x16384xi32, #tpu.memory_space<hbm>> -> memref<200x128xi32, #tpu.memory_space<hbm>>
    %dma_start3A_72 = arith.constant 0 : i32
    %dma_start3A_73 = arith.constant 0 : i32
    %dma_start3A_74 = tpu.memref_slice %arg6[%dma_start3A_65, %dma_start3A_72, %dma_start3A_73] : memref<2x200x128xi32, #tpu.memory_space<vmem>> -> memref<1x200x128xi32, #tpu.memory_space<vmem>>
    %dma_start3A_75 = tpu.memref_squeeze %dma_start3A_74 : memref<1x200x128xi32, #tpu.memory_space<vmem>> -> memref<200x128xi32, #tpu.memory_space<vmem>>
    %dma_start3A_76 = arith.constant 0 : i32
    %dma_start3A_77 = tpu.memref_slice %arg3[%dma_start3A_76, %add3A_64] : memref<200x16384xi32, #tpu.memory_space<hbm>> -> memref<200x128xi32, #tpu.memory_space<hbm>>
    tpu.enqueue_dma source(%dma_start3A_77 : memref<200x128xi32, #tpu.memory_space<hbm>>) target(%dma_start3A_75 : memref<200x128xi32, #tpu.memory_space<vmem>>) target_semaphore(%arg8 : memref<!tpu.dma_semaphore, #tpu.memory_space<semaphore_mem>>)
    %dma_wait3A_78 = arith.constant 1 : i32
    %dma_wait3A_79 = arith.constant 0 : i32
    %dma_wait3A_80 = arith.constant 0 : i32
    %dma_wait3A_81 = tpu.memref_slice %arg6[%dma_wait3A_78, %dma_wait3A_79, %dma_wait3A_80] : memref<2x200x128xi32, #tpu.memory_space<vmem>> -> memref<1x200x128xi32, #tpu.memory_space<vmem>>
    %dma_wait3A_82 = tpu.memref_squeeze %dma_wait3A_81 : memref<1x200x128xi32, #tpu.memory_space<vmem>> -> memref<200x128xi32, #tpu.memory_space<vmem>>
    %dma_wait3A_83 = arith.constant 0 : i32
    %dma_wait3A_84 = tpu.memref_slice %arg3[%dma_wait3A_83, %add3A_18] : memref<200x16384xi32, #tpu.memory_space<hbm>> -> memref<200x128xi32, #tpu.memory_space<hbm>>
    %dma_wait3A_85 = arith.constant 0 : i32
    %dma_wait3A_86 = arith.constant 0 : i32
    %dma_wait3A_87 = tpu.memref_slice %arg6[%dma_wait3A_78, %dma_wait3A_85, %dma_wait3A_86] : memref<2x200x128xi32, #tpu.memory_space<vmem>> -> memref<1x200x128xi32, #tpu.memory_space<vmem>>
    %dma_wait3A_88 = tpu.memref_squeeze %dma_wait3A_87 : memref<1x200x128xi32, #tpu.memory_space<vmem>> -> memref<200x128xi32, #tpu.memory_space<vmem>>
    %dma_wait3A_89 = arith.constant 0 : i32
    %dma_wait3A_90 = tpu.memref_slice %arg3[%dma_wait3A_89, %add3A_18] : memref<200x16384xi32, #tpu.memory_space<hbm>> -> memref<200x128xi32, #tpu.memory_space<hbm>>
    tpu.wait_dma2 semaphore(%arg9 : memref<!tpu.dma_semaphore, #tpu.memory_space<semaphore_mem>>) src(%dma_wait3A_90 : memref<200x128xi32, #tpu.memory_space<hbm>>) dst(%dma_wait3A_88 : memref<200x128xi32, #tpu.memory_space<vmem>>)
    %parallel_loop3A_91 = arith.constant 0 : i32
    %parallel_loop3A_92 = arith.constant 200 : i32
    %parallel_loop3A_93 = arith.constant 1 : i32
    %parallel_loop3A_94 = arith.constant 1 : i32
    %parallel_loop3A_95 = arith.constant 1 : i32
    scf.for %parallel_loop3A_244 = %parallel_loop3A_91 to %parallel_loop3A_92 step %parallel_loop3A_93  : i32 {
      %parallel_loop3A_245 = arith.constant 0 : i32
      %parallel_loop3A_246 = arith.constant 0 : i32
      %parallel_loop3A_247 = tpu.memref_slice %arg6[%parallel_loop3A_94, %parallel_loop3A_245, %parallel_loop3A_246] : memref<2x200x128xi32, #tpu.memory_space<vmem>> -> memref<1x200x128xi32, #tpu.memory_space<vmem>>
      %parallel_loop3A_248 = tpu.memref_squeeze %parallel_loop3A_247 : memref<1x200x128xi32, #tpu.memory_space<vmem>> -> memref<200x128xi32, #tpu.memory_space<vmem>>
      %parallel_loop3A_249 = arith.index_cast %parallel_loop3A_244 : i32 to index
      %parallel_loop3A_250 = arith.constant 0 : index
      %parallel_loop3A_251 = tpu.vector_load %parallel_loop3A_248[%parallel_loop3A_249, %parallel_loop3A_250] {strides = array<i32>} : memref<200x128xi32, #tpu.memory_space<vmem>>, vector<16xi32>,
      %parallel_loop3A_252 = tpu.vector_load_idx %arg5[%parallel_loop3A_251] : memref<1024xf32, #tpu.memory_space<vmem>>[vector<16xi32>], vector<16xf32>,
      %parallel_loop3A_253 = arith.constant 0 : i32
      %parallel_loop3A_254 = arith.constant 0 : i32
      %parallel_loop3A_255 = tpu.memref_slice %arg7[%parallel_loop3A_95, %parallel_loop3A_253, %parallel_loop3A_254] : memref<2x200x128xf32, #tpu.memory_space<vmem>> -> memref<1x200x128xf32, #tpu.memory_space<vmem>>
      %parallel_loop3A_256 = tpu.memref_squeeze %parallel_loop3A_255 : memref<1x200x128xf32, #tpu.memory_space<vmem>> -> memref<200x128xf32, #tpu.memory_space<vmem>>
      %parallel_loop3A_257 = arith.index_cast %parallel_loop3A_244 : i32 to index
      %parallel_loop3A_258 = arith.constant 0 : index
      %parallel_loop3A_259 = tpu.vector_load %parallel_loop3A_256[%parallel_loop3A_257, %parallel_loop3A_258] {strides = array<i32>} : memref<200x128xf32, #tpu.memory_space<vmem>>, vector<16xf32>,
      tpu.vector_store %parallel_loop3A_256[%parallel_loop3A_257, %parallel_loop3A_258], %parallel_loop3A_252 {strides = array<i32>} : memref<200x128xf32, #tpu.memory_space<vmem>>, vector<16xf32>,
      %parallel_loop3A_260 = arith.constant 0 : i32
      %parallel_loop3A_261 = arith.constant 0 : i32
      %parallel_loop3A_262 = tpu.memref_slice %arg6[%parallel_loop3A_94, %parallel_loop3A_260, %parallel_loop3A_261] : memref<2x200x128xi32, #tpu.memory_space<vmem>> -> memref<1x200x128xi32, #tpu.memory_space<vmem>>
      %parallel_loop3A_263 = tpu.memref_squeeze %parallel_loop3A_262 : memref<1x200x128xi32, #tpu.memory_space<vmem>> -> memref<200x128xi32, #tpu.memory_space<vmem>>
      %parallel_loop3A_264 = arith.index_cast %parallel_loop3A_244 : i32 to index
      %parallel_loop3A_265 = arith.constant 16 : index
      %parallel_loop3A_266 = tpu.vector_load %parallel_loop3A_263[%parallel_loop3A_264, %parallel_loop3A_265] {strides = array<i32>} : memref<200x128xi32, #tpu.memory_space<vmem>>, vector<16xi32>,
      %parallel_loop3A_267 = tpu.vector_load_idx %arg5[%parallel_loop3A_266] : memref<1024xf32, #tpu.memory_space<vmem>>[vector<16xi32>], vector<16xf32>,
      %parallel_loop3A_268 = arith.constant 0 : i32
      %parallel_loop3A_269 = arith.constant 0 : i32
      %parallel_loop3A_270 = tpu.memref_slice %arg7[%parallel_loop3A_95, %parallel_loop3A_268, %parallel_loop3A_269] : memref<2x200x128xf32, #tpu.memory_space<vmem>> -> memref<1x200x128xf32, #tpu.memory_space<vmem>>
      %parallel_loop3A_271 = tpu.memref_squeeze %parallel_loop3A_270 : memref<1x200x128xf32, #tpu.memory_space<vmem>> -> memref<200x128xf32, #tpu.memory_space<vmem>>
      %parallel_loop3A_272 = arith.index_cast %parallel_loop3A_244 : i32 to index
      %parallel_loop3A_273 = arith.constant 16 : index
      %parallel_loop3A_274 = tpu.vector_load %parallel_loop3A_271[%parallel_loop3A_272, %parallel_loop3A_273] {strides = array<i32>} : memref<200x128xf32, #tpu.memory_space<vmem>>, vector<16xf32>,
      tpu.vector_store %parallel_loop3A_271[%parallel_loop3A_272, %parallel_loop3A_273], %parallel_loop3A_267 {strides = array<i32>} : memref<200x128xf32, #tpu.memory_space<vmem>>, vector<16xf32>,
      %parallel_loop3A_275 = arith.constant 0 : i32
      %parallel_loop3A_276 = arith.constant 0 : i32
      %parallel_loop3A_277 = tpu.memref_slice %arg6[%parallel_loop3A_94, %parallel_loop3A_275, %parallel_loop3A_276] : memref<2x200x128xi32, #tpu.memory_space<vmem>> -> memref<1x200x128xi32, #tpu.memory_space<vmem>>
      %parallel_loop3A_278 = tpu.memref_squeeze %parallel_loop3A_277 : memref<1x200x128xi32, #tpu.memory_space<vmem>> -> memref<200x128xi32, #tpu.memory_space<vmem>>
      %parallel_loop3A_279 = arith.index_cast %parallel_loop3A_244 : i32 to index
      %parallel_loop3A_280 = arith.constant 32 : index
      %parallel_loop3A_281 = tpu.vector_load %parallel_loop3A_278[%parallel_loop3A_279, %parallel_loop3A_280] {strides = array<i32>} : memref<200x128xi32, #tpu.memory_space<vmem>>, vector<16xi32>,
      %parallel_loop3A_282 = tpu.vector_load_idx %arg5[%parallel_loop3A_281] : memref<1024xf32, #tpu.memory_space<vmem>>[vector<16xi32>], vector<16xf32>,
      %parallel_loop3A_283 = arith.constant 0 : i32
      %parallel_loop3A_284 = arith.constant 0 : i32
      %parallel_loop3A_285 = tpu.memref_slice %arg7[%parallel_loop3A_95, %parallel_loop3A_283, %parallel_loop3A_284] : memref<2x200x128xf32, #tpu.memory_space<vmem>> -> memref<1x200x128xf32, #tpu.memory_space<vmem>>
      %parallel_loop3A_286 = tpu.memref_squeeze %parallel_loop3A_285 : memref<1x200x128xf32, #tpu.memory_space<vmem>> -> memref<200x128xf32, #tpu.memory_space<vmem>>
      %parallel_loop3A_287 = arith.index_cast %parallel_loop3A_244 : i32 to index
      %parallel_loop3A_288 = arith.constant 32 : index
      %parallel_loop3A_289 = tpu.vector_load %parallel_loop3A_286[%parallel_loop3A_287, %parallel_loop3A_288] {strides = array<i32>} : memref<200x128xf32, #tpu.memory_space<vmem>>, vector<16xf32>,
      tpu.vector_store %parallel_loop3A_286[%parallel_loop3A_287, %parallel_loop3A_288], %parallel_loop3A_282 {strides = array<i32>} : memref<200x128xf32, #tpu.memory_space<vmem>>, vector<16xf32>,
      %parallel_loop3A_290 = arith.constant 0 : i32
      %parallel_loop3A_291 = arith.constant 0 : i32
      %parallel_loop3A_292 = tpu.memref_slice %arg6[%parallel_loop3A_94, %parallel_loop3A_290, %parallel_loop3A_291] : memref<2x200x128xi32, #tpu.memory_space<vmem>> -> memref<1x200x128xi32, #tpu.memory_space<vmem>>
      %parallel_loop3A_293 = tpu.memref_squeeze %parallel_loop3A_292 : memref<1x200x128xi32, #tpu.memory_space<vmem>> -> memref<200x128xi32, #tpu.memory_space<vmem>>
      %parallel_loop3A_294 = arith.index_cast %parallel_loop3A_244 : i32 to index
      %parallel_loop3A_295 = arith.constant 48 : index
      %parallel_loop3A_296 = tpu.vector_load %parallel_loop3A_293[%parallel_loop3A_294, %parallel_loop3A_295] {strides = array<i32>} : memref<200x128xi32, #tpu.memory_space<vmem>>, vector<16xi32>,
      %parallel_loop3A_297 = tpu.vector_load_idx %arg5[%parallel_loop3A_296] : memref<1024xf32, #tpu.memory_space<vmem>>[vector<16xi32>], vector<16xf32>,
      %parallel_loop3A_298 = arith.constant 0 : i32
      %parallel_loop3A_299 = arith.constant 0 : i32
      %parallel_loop3A_300 = tpu.memref_slice %arg7[%parallel_loop3A_95, %parallel_loop3A_298, %parallel_loop3A_299] : memref<2x200x128xf32, #tpu.memory_space<vmem>> -> memref<1x200x128xf32, #tpu.memory_space<vmem>>
      %parallel_loop3A_301 = tpu.memref_squeeze %parallel_loop3A_300 : memref<1x200x128xf32, #tpu.memory_space<vmem>> -> memref<200x128xf32, #tpu.memory_space<vmem>>
      %parallel_loop3A_302 = arith.index_cast %parallel_loop3A_244 : i32 to index
      %parallel_loop3A_303 = arith.constant 48 : index
      %parallel_loop3A_304 = tpu.vector_load %parallel_loop3A_301[%parallel_loop3A_302, %parallel_loop3A_303] {strides = array<i32>} : memref<200x128xf32, #tpu.memory_space<vmem>>, vector<16xf32>,
      tpu.vector_store %parallel_loop3A_301[%parallel_loop3A_302, %parallel_loop3A_303], %parallel_loop3A_297 {strides = array<i32>} : memref<200x128xf32, #tpu.memory_space<vmem>>, vector<16xf32>,
      %parallel_loop3A_305 = arith.constant 0 : i32
      %parallel_loop3A_306 = arith.constant 0 : i32
      %parallel_loop3A_307 = tpu.memref_slice %arg6[%parallel_loop3A_94, %parallel_loop3A_305, %parallel_loop3A_306] : memref<2x200x128xi32, #tpu.memory_space<vmem>> -> memref<1x200x128xi32, #tpu.memory_space<vmem>>
      %parallel_loop3A_308 = tpu.memref_squeeze %parallel_loop3A_307 : memref<1x200x128xi32, #tpu.memory_space<vmem>> -> memref<200x128xi32, #tpu.memory_space<vmem>>
      %parallel_loop3A_309 = arith.index_cast %parallel_loop3A_244 : i32 to index
      %parallel_loop3A_310 = arith.constant 64 : index
      %parallel_loop3A_311 = tpu.vector_load %parallel_loop3A_308[%parallel_loop3A_309, %parallel_loop3A_310] {strides = array<i32>} : memref<200x128xi32, #tpu.memory_space<vmem>>, vector<16xi32>,
      %parallel_loop3A_312 = tpu.vector_load_idx %arg5[%parallel_loop3A_311] : memref<1024xf32, #tpu.memory_space<vmem>>[vector<16xi32>], vector<16xf32>,
      %parallel_loop3A_313 = arith.constant 0 : i32
      %parallel_loop3A_314 = arith.constant 0 : i32
      %parallel_loop3A_315 = tpu.memref_slice %arg7[%parallel_loop3A_95, %parallel_loop3A_313, %parallel_loop3A_314] : memref<2x200x128xf32, #tpu.memory_space<vmem>> -> memref<1x200x128xf32, #tpu.memory_space<vmem>>
      %parallel_loop3A_316 = tpu.memref_squeeze %parallel_loop3A_315 : memref<1x200x128xf32, #tpu.memory_space<vmem>> -> memref<200x128xf32, #tpu.memory_space<vmem>>
      %parallel_loop3A_317 = arith.index_cast %parallel_loop3A_244 : i32 to index
      %parallel_loop3A_318 = arith.constant 64 : index
      %parallel_loop3A_319 = tpu.vector_load %parallel_loop3A_316[%parallel_loop3A_317, %parallel_loop3A_318] {strides = array<i32>} : memref<200x128xf32, #tpu.memory_space<vmem>>, vector<16xf32>,
      tpu.vector_store %parallel_loop3A_316[%parallel_loop3A_317, %parallel_loop3A_318], %parallel_loop3A_312 {strides = array<i32>} : memref<200x128xf32, #tpu.memory_space<vmem>>, vector<16xf32>,
      %parallel_loop3A_320 = arith.constant 0 : i32
      %parallel_loop3A_321 = arith.constant 0 : i32
      %parallel_loop3A_322 = tpu.memref_slice %arg6[%parallel_loop3A_94, %parallel_loop3A_320, %parallel_loop3A_321] : memref<2x200x128xi32, #tpu.memory_space<vmem>> -> memref<1x200x128xi32, #tpu.memory_space<vmem>>
      %parallel_loop3A_323 = tpu.memref_squeeze %parallel_loop3A_322 : memref<1x200x128xi32, #tpu.memory_space<vmem>> -> memref<200x128xi32, #tpu.memory_space<vmem>>
      %parallel_loop3A_324 = arith.index_cast %parallel_loop3A_244 : i32 to index
      %parallel_loop3A_325 = arith.constant 80 : index
      %parallel_loop3A_326 = tpu.vector_load %parallel_loop3A_323[%parallel_loop3A_324, %parallel_loop3A_325] {strides = array<i32>} : memref<200x128xi32, #tpu.memory_space<vmem>>, vector<16xi32>,
      %parallel_loop3A_327 = tpu.vector_load_idx %arg5[%parallel_loop3A_326] : memref<1024xf32, #tpu.memory_space<vmem>>[vector<16xi32>], vector<16xf32>,
      %parallel_loop3A_328 = arith.constant 0 : i32
      %parallel_loop3A_329 = arith.constant 0 : i32
      %parallel_loop3A_330 = tpu.memref_slice %arg7[%parallel_loop3A_95, %parallel_loop3A_328, %parallel_loop3A_329] : memref<2x200x128xf32, #tpu.memory_space<vmem>> -> memref<1x200x128xf32, #tpu.memory_space<vmem>>
      %parallel_loop3A_331 = tpu.memref_squeeze %parallel_loop3A_330 : memref<1x200x128xf32, #tpu.memory_space<vmem>> -> memref<200x128xf32, #tpu.memory_space<vmem>>
      %parallel_loop3A_332 = arith.index_cast %parallel_loop3A_244 : i32 to index
      %parallel_loop3A_333 = arith.constant 80 : index
      %parallel_loop3A_334 = tpu.vector_load %parallel_loop3A_331[%parallel_loop3A_332, %parallel_loop3A_333] {strides = array<i32>} : memref<200x128xf32, #tpu.memory_space<vmem>>, vector<16xf32>,
      tpu.vector_store %parallel_loop3A_331[%parallel_loop3A_332, %parallel_loop3A_333], %parallel_loop3A_327 {strides = array<i32>} : memref<200x128xf32, #tpu.memory_space<vmem>>, vector<16xf32>,
      %parallel_loop3A_335 = arith.constant 0 : i32
      %parallel_loop3A_336 = arith.constant 0 : i32
      %parallel_loop3A_337 = tpu.memref_slice %arg6[%parallel_loop3A_94, %parallel_loop3A_335, %parallel_loop3A_336] : memref<2x200x128xi32, #tpu.memory_space<vmem>> -> memref<1x200x128xi32, #tpu.memory_space<vmem>>
      %parallel_loop3A_338 = tpu.memref_squeeze %parallel_loop3A_337 : memref<1x200x128xi32, #tpu.memory_space<vmem>> -> memref<200x128xi32, #tpu.memory_space<vmem>>
      %parallel_loop3A_339 = arith.index_cast %parallel_loop3A_244 : i32 to index
      %parallel_loop3A_340 = arith.constant 96 : index
      %parallel_loop3A_341 = tpu.vector_load %parallel_loop3A_338[%parallel_loop3A_339, %parallel_loop3A_340] {strides = array<i32>} : memref<200x128xi32, #tpu.memory_space<vmem>>, vector<16xi32>,
      %parallel_loop3A_342 = tpu.vector_load_idx %arg5[%parallel_loop3A_341] : memref<1024xf32, #tpu.memory_space<vmem>>[vector<16xi32>], vector<16xf32>,
      %parallel_loop3A_343 = arith.constant 0 : i32
      %parallel_loop3A_344 = arith.constant 0 : i32
      %parallel_loop3A_345 = tpu.memref_slice %arg7[%parallel_loop3A_95, %parallel_loop3A_343, %parallel_loop3A_344] : memref<2x200x128xf32, #tpu.memory_space<vmem>> -> memref<1x200x128xf32, #tpu.memory_space<vmem>>
      %parallel_loop3A_346 = tpu.memref_squeeze %parallel_loop3A_345 : memref<1x200x128xf32, #tpu.memory_space<vmem>> -> memref<200x128xf32, #tpu.memory_space<vmem>>
      %parallel_loop3A_347 = arith.index_cast %parallel_loop3A_244 : i32 to index
      %parallel_loop3A_348 = arith.constant 96 : index
      %parallel_loop3A_349 = tpu.vector_load %parallel_loop3A_346[%parallel_loop3A_347, %parallel_loop3A_348] {strides = array<i32>} : memref<200x128xf32, #tpu.memory_space<vmem>>, vector<16xf32>,
      tpu.vector_store %parallel_loop3A_346[%parallel_loop3A_347, %parallel_loop3A_348], %parallel_loop3A_342 {strides = array<i32>} : memref<200x128xf32, #tpu.memory_space<vmem>>, vector<16xf32>,
      %parallel_loop3A_350 = arith.constant 0 : i32
      %parallel_loop3A_351 = arith.constant 0 : i32
      %parallel_loop3A_352 = tpu.memref_slice %arg6[%parallel_loop3A_94, %parallel_loop3A_350, %parallel_loop3A_351] : memref<2x200x128xi32, #tpu.memory_space<vmem>> -> memref<1x200x128xi32, #tpu.memory_space<vmem>>
      %parallel_loop3A_353 = tpu.memref_squeeze %parallel_loop3A_352 : memref<1x200x128xi32, #tpu.memory_space<vmem>> -> memref<200x128xi32, #tpu.memory_space<vmem>>
      %parallel_loop3A_354 = arith.index_cast %parallel_loop3A_244 : i32 to index
      %parallel_loop3A_355 = arith.constant 112 : index
      %parallel_loop3A_356 = tpu.vector_load %parallel_loop3A_353[%parallel_loop3A_354, %parallel_loop3A_355] {strides = array<i32>} : memref<200x128xi32, #tpu.memory_space<vmem>>, vector<16xi32>,
      %parallel_loop3A_357 = tpu.vector_load_idx %arg5[%parallel_loop3A_356] : memref<1024xf32, #tpu.memory_space<vmem>>[vector<16xi32>], vector<16xf32>,
      %parallel_loop3A_358 = arith.constant 0 : i32
      %parallel_loop3A_359 = arith.constant 0 : i32
      %parallel_loop3A_360 = tpu.memref_slice %arg7[%parallel_loop3A_95, %parallel_loop3A_358, %parallel_loop3A_359] : memref<2x200x128xf32, #tpu.memory_space<vmem>> -> memref<1x200x128xf32, #tpu.memory_space<vmem>>
      %parallel_loop3A_361 = tpu.memref_squeeze %parallel_loop3A_360 : memref<1x200x128xf32, #tpu.memory_space<vmem>> -> memref<200x128xf32, #tpu.memory_space<vmem>>
      %parallel_loop3A_362 = arith.index_cast %parallel_loop3A_244 : i32 to index
      %parallel_loop3A_363 = arith.constant 112 : index
      %parallel_loop3A_364 = tpu.vector_load %parallel_loop3A_361[%parallel_loop3A_362, %parallel_loop3A_363] {strides = array<i32>} : memref<200x128xf32, #tpu.memory_space<vmem>>, vector<16xf32>,
      tpu.vector_store %parallel_loop3A_361[%parallel_loop3A_362, %parallel_loop3A_363], %parallel_loop3A_357 {strides = array<i32>} : memref<200x128xf32, #tpu.memory_space<vmem>>, vector<16xf32>,
    } {sc.loop_unroll_factor = 1 : i64, sc.parallel_access}
    %add3A_96 = arith.constant 128 : i32
    %add3A_97 = arith.addi %mul3A_2, %add3A_96 : i32
    %dma_start3A_98 = arith.constant 1 : i32
    %dma_start3A_99 = arith.constant 0 : i32
    %dma_start3A_100 = arith.constant 0 : i32
    %dma_start3A_101 = tpu.memref_slice %arg7[%dma_start3A_98, %dma_start3A_99, %dma_start3A_100] : memref<2x200x128xf32, #tpu.memory_space<vmem>> -> memref<1x200x128xf32, #tpu.memory_space<vmem>>
    %dma_start3A_102 = tpu.memref_squeeze %dma_start3A_101 : memref<1x200x128xf32, #tpu.memory_space<vmem>> -> memref<200x128xf32, #tpu.memory_space<vmem>>
    %dma_start3A_103 = arith.constant 0 : i32
    %dma_start3A_104 = tpu.memref_slice %arg4[%dma_start3A_103, %add3A_97] : memref<200x16384xf32, #tpu.memory_space<hbm>> -> memref<200x128xf32, #tpu.memory_space<hbm>>
    %dma_start3A_105 = arith.constant 0 : i32
    %dma_start3A_106 = tpu.memref_slice %arg4[%dma_start3A_105, %add3A_97] : memref<200x16384xf32, #tpu.memory_space<hbm>> -> memref<200x128xf32, #tpu.memory_space<hbm>>
    %dma_start3A_107 = arith.constant 0 : i32
    %dma_start3A_108 = arith.constant 0 : i32
    %dma_start3A_109 = tpu.memref_slice %arg7[%dma_start3A_98, %dma_start3A_107, %dma_start3A_108] : memref<2x200x128xf32, #tpu.memory_space<vmem>> -> memref<1x200x128xf32, #tpu.memory_space<vmem>>
    %dma_start3A_110 = tpu.memref_squeeze %dma_start3A_109 : memref<1x200x128xf32, #tpu.memory_space<vmem>> -> memref<200x128xf32, #tpu.memory_space<vmem>>
    tpu.enqueue_dma source(%dma_start3A_110 : memref<200x128xf32, #tpu.memory_space<vmem>>) target(%dma_start3A_106 : memref<200x128xf32, #tpu.memory_space<hbm>>) target_semaphore(%arg11 : memref<!tpu.dma_semaphore, #tpu.memory_space<semaphore_mem>>)
    %add3A_111 = arith.constant 384 : i32
    %add3A_112 = arith.addi %mul3A_2, %add3A_111 : i32
    %dma_start3A_113 = arith.constant 1 : i32
    %dma_start3A_114 = arith.constant 0 : i32
    %dma_start3A_115 = arith.constant 0 : i32
    %dma_start3A_116 = tpu.memref_slice %arg6[%dma_start3A_113, %dma_start3A_114, %dma_start3A_115] : memref<2x200x128xi32, #tpu.memory_space<vmem>> -> memref<1x200x128xi32, #tpu.memory_space<vmem>>
    %dma_start3A_117 = tpu.memref_squeeze %dma_start3A_116 : memref<1x200x128xi32, #tpu.memory_space<vmem>> -> memref<200x128xi32, #tpu.memory_space<vmem>>
    %dma_start3A_118 = arith.constant 0 : i32
    %dma_start3A_119 = tpu.memref_slice %arg3[%dma_start3A_118, %add3A_112] : memref<200x16384xi32, #tpu.memory_space<hbm>> -> memref<200x128xi32, #tpu.memory_space<hbm>>
    %dma_start3A_120 = arith.constant 0 : i32
    %dma_start3A_121 = arith.constant 0 : i32
    %dma_start3A_122 = tpu.memref_slice %arg6[%dma_start3A_113, %dma_start3A_120, %dma_start3A_121] : memref<2x200x128xi32, #tpu.memory_space<vmem>> -> memref<1x200x128xi32, #tpu.memory_space<vmem>>
    %dma_start3A_123 = tpu.memref_squeeze %dma_start3A_122 : memref<1x200x128xi32, #tpu.memory_space<vmem>> -> memref<200x128xi32, #tpu.memory_space<vmem>>
    %dma_start3A_124 = arith.constant 0 : i32
    %dma_start3A_125 = tpu.memref_slice %arg3[%dma_start3A_124, %add3A_112] : memref<200x16384xi32, #tpu.memory_space<hbm>> -> memref<200x128xi32, #tpu.memory_space<hbm>>
    tpu.enqueue_dma source(%dma_start3A_125 : memref<200x128xi32, #tpu.memory_space<hbm>>) target(%dma_start3A_123 : memref<200x128xi32, #tpu.memory_space<vmem>>) target_semaphore(%arg9 : memref<!tpu.dma_semaphore, #tpu.memory_space<semaphore_mem>>)
    %dma_wait3A_126 = arith.constant 0 : i32
    %dma_wait3A_127 = arith.constant 0 : i32
    %dma_wait3A_128 = arith.constant 0 : i32
    %dma_wait3A_129 = tpu.memref_slice %arg6[%dma_wait3A_126, %dma_wait3A_127, %dma_wait3A_128] : memref<2x200x128xi32, #tpu.memory_space<vmem>> -> memref<1x200x128xi32, #tpu.memory_space<vmem>>
    %dma_wait3A_130 = tpu.memref_squeeze %dma_wait3A_129 : memref<1x200x128xi32, #tpu.memory_space<vmem>> -> memref<200x128xi32, #tpu.memory_space<vmem>>
    %dma_wait3A_131 = arith.constant 0 : i32
    %dma_wait3A_132 = tpu.memref_slice %arg3[%dma_wait3A_131, %add3A_64] : memref<200x16384xi32, #tpu.memory_space<hbm>> -> memref<200x128xi32, #tpu.memory_space<hbm>>
    %dma_wait3A_133 = arith.constant 0 : i32
    %dma_wait3A_134 = arith.constant 0 : i32
    %dma_wait3A_135 = tpu.memref_slice %arg6[%dma_wait3A_126, %dma_wait3A_133, %dma_wait3A_134] : memref<2x200x128xi32, #tpu.memory_space<vmem>> -> memref<1x200x128xi32, #tpu.memory_space<vmem>>
    %dma_wait3A_136 = tpu.memref_squeeze %dma_wait3A_135 : memref<1x200x128xi32, #tpu.memory_space<vmem>> -> memref<200x128xi32, #tpu.memory_space<vmem>>
    %dma_wait3A_137 = arith.constant 0 : i32
    %dma_wait3A_138 = tpu.memref_slice %arg3[%dma_wait3A_137, %add3A_64] : memref<200x16384xi32, #tpu.memory_space<hbm>> -> memref<200x128xi32, #tpu.memory_space<hbm>>
    tpu.wait_dma2 semaphore(%arg8 : memref<!tpu.dma_semaphore, #tpu.memory_space<semaphore_mem>>) src(%dma_wait3A_138 : memref<200x128xi32, #tpu.memory_space<hbm>>) dst(%dma_wait3A_136 : memref<200x128xi32, #tpu.memory_space<vmem>>)
    %dma_wait3A_139 = arith.constant 0 : i32
    %dma_wait3A_140 = arith.constant 0 : i32
    %dma_wait3A_141 = arith.constant 0 : i32
    %dma_wait3A_142 = tpu.memref_slice %arg7[%dma_wait3A_139, %dma_wait3A_140, %dma_wait3A_141] : memref<2x200x128xf32, #tpu.memory_space<vmem>> -> memref<1x200x128xf32, #tpu.memory_space<vmem>>
    %dma_wait3A_143 = tpu.memref_squeeze %dma_wait3A_142 : memref<1x200x128xf32, #tpu.memory_space<vmem>> -> memref<200x128xf32, #tpu.memory_space<vmem>>
    %dma_wait3A_144 = arith.constant 0 : i32
    %dma_wait3A_145 = tpu.memref_slice %arg4[%dma_wait3A_144, %add3A_49] : memref<200x16384xf32, #tpu.memory_space<hbm>> -> memref<200x128xf32, #tpu.memory_space<hbm>>
    %dma_wait3A_146 = arith.constant 0 : i32
    %dma_wait3A_147 = tpu.memref_slice %arg4[%dma_wait3A_146, %add3A_49] : memref<200x16384xf32, #tpu.memory_space<hbm>> -> memref<200x128xf32, #tpu.memory_space<hbm>>
    %dma_wait3A_148 = arith.constant 0 : i32
    %dma_wait3A_149 = arith.constant 0 : i32
    %dma_wait3A_150 = tpu.memref_slice %arg7[%dma_wait3A_139, %dma_wait3A_148, %dma_wait3A_149] : memref<2x200x128xf32, #tpu.memory_space<vmem>> -> memref<1x200x128xf32, #tpu.memory_space<vmem>>
    %dma_wait3A_151 = tpu.memref_squeeze %dma_wait3A_150 : memref<1x200x128xf32, #tpu.memory_space<vmem>> -> memref<200x128xf32, #tpu.memory_space<vmem>>
    tpu.wait_dma2 semaphore(%arg10 : memref<!tpu.dma_semaphore, #tpu.memory_space<semaphore_mem>>) src(%dma_wait3A_151 : memref<200x128xf32, #tpu.memory_space<vmem>>) dst(%dma_wait3A_147 : memref<200x128xf32, #tpu.memory_space<hbm>>)
    %parallel_loop3A_152 = arith.constant 0 : i32
    %parallel_loop3A_153 = arith.constant 200 : i32
    %parallel_loop3A_154 = arith.constant 1 : i32
    %parallel_loop3A_155 = arith.constant 0 : i32
    %parallel_loop3A_156 = arith.constant 0 : i32
    scf.for %parallel_loop3A_244 = %parallel_loop3A_152 to %parallel_loop3A_153 step %parallel_loop3A_154  : i32 {
      %parallel_loop3A_245 = arith.constant 0 : i32
      %parallel_loop3A_246 = arith.constant 0 : i32
      %parallel_loop3A_247 = tpu.memref_slice %arg6[%parallel_loop3A_155, %parallel_loop3A_245, %parallel_loop3A_246] : memref<2x200x128xi32, #tpu.memory_space<vmem>> -> memref<1x200x128xi32, #tpu.memory_space<vmem>>
      %parallel_loop3A_248 = tpu.memref_squeeze %parallel_loop3A_247 : memref<1x200x128xi32, #tpu.memory_space<vmem>> -> memref<200x128xi32, #tpu.memory_space<vmem>>
      %parallel_loop3A_249 = arith.index_cast %parallel_loop3A_244 : i32 to index
      %parallel_loop3A_250 = arith.constant 0 : index
      %parallel_loop3A_251 = tpu.vector_load %parallel_loop3A_248[%parallel_loop3A_249, %parallel_loop3A_250] {strides = array<i32>} : memref<200x128xi32, #tpu.memory_space<vmem>>, vector<16xi32>,
      %parallel_loop3A_252 = tpu.vector_load_idx %arg5[%parallel_loop3A_251] : memref<1024xf32, #tpu.memory_space<vmem>>[vector<16xi32>], vector<16xf32>,
      %parallel_loop3A_253 = arith.constant 0 : i32
      %parallel_loop3A_254 = arith.constant 0 : i32
      %parallel_loop3A_255 = tpu.memref_slice %arg7[%parallel_loop3A_156, %parallel_loop3A_253, %parallel_loop3A_254] : memref<2x200x128xf32, #tpu.memory_space<vmem>> -> memref<1x200x128xf32, #tpu.memory_space<vmem>>
      %parallel_loop3A_256 = tpu.memref_squeeze %parallel_loop3A_255 : memref<1x200x128xf32, #tpu.memory_space<vmem>> -> memref<200x128xf32, #tpu.memory_space<vmem>>
      %parallel_loop3A_257 = arith.index_cast %parallel_loop3A_244 : i32 to index
      %parallel_loop3A_258 = arith.constant 0 : index
      %parallel_loop3A_259 = tpu.vector_load %parallel_loop3A_256[%parallel_loop3A_257, %parallel_loop3A_258] {strides = array<i32>} : memref<200x128xf32, #tpu.memory_space<vmem>>, vector<16xf32>,
      tpu.vector_store %parallel_loop3A_256[%parallel_loop3A_257, %parallel_loop3A_258], %parallel_loop3A_252 {strides = array<i32>} : memref<200x128xf32, #tpu.memory_space<vmem>>, vector<16xf32>,
      %parallel_loop3A_260 = arith.constant 0 : i32
      %parallel_loop3A_261 = arith.constant 0 : i32
      %parallel_loop3A_262 = tpu.memref_slice %arg6[%parallel_loop3A_155, %parallel_loop3A_260, %parallel_loop3A_261] : memref<2x200x128xi32, #tpu.memory_space<vmem>> -> memref<1x200x128xi32, #tpu.memory_space<vmem>>
      %parallel_loop3A_263 = tpu.memref_squeeze %parallel_loop3A_262 : memref<1x200x128xi32, #tpu.memory_space<vmem>> -> memref<200x128xi32, #tpu.memory_space<vmem>>
      %parallel_loop3A_264 = arith.index_cast %parallel_loop3A_244 : i32 to index
      %parallel_loop3A_265 = arith.constant 16 : index
      %parallel_loop3A_266 = tpu.vector_load %parallel_loop3A_263[%parallel_loop3A_264, %parallel_loop3A_265] {strides = array<i32>} : memref<200x128xi32, #tpu.memory_space<vmem>>, vector<16xi32>,
      %parallel_loop3A_267 = tpu.vector_load_idx %arg5[%parallel_loop3A_266] : memref<1024xf32, #tpu.memory_space<vmem>>[vector<16xi32>], vector<16xf32>,
      %parallel_loop3A_268 = arith.constant 0 : i32
      %parallel_loop3A_269 = arith.constant 0 : i32
      %parallel_loop3A_270 = tpu.memref_slice %arg7[%parallel_loop3A_156, %parallel_loop3A_268, %parallel_loop3A_269] : memref<2x200x128xf32, #tpu.memory_space<vmem>> -> memref<1x200x128xf32, #tpu.memory_space<vmem>>
      %parallel_loop3A_271 = tpu.memref_squeeze %parallel_loop3A_270 : memref<1x200x128xf32, #tpu.memory_space<vmem>> -> memref<200x128xf32, #tpu.memory_space<vmem>>
      %parallel_loop3A_272 = arith.index_cast %parallel_loop3A_244 : i32 to index
      %parallel_loop3A_273 = arith.constant 16 : index
      %parallel_loop3A_274 = tpu.vector_load %parallel_loop3A_271[%parallel_loop3A_272, %parallel_loop3A_273] {strides = array<i32>} : memref<200x128xf32, #tpu.memory_space<vmem>>, vector<16xf32>,
      tpu.vector_store %parallel_loop3A_271[%parallel_loop3A_272, %parallel_loop3A_273], %parallel_loop3A_267 {strides = array<i32>} : memref<200x128xf32, #tpu.memory_space<vmem>>, vector<16xf32>,
      %parallel_loop3A_275 = arith.constant 0 : i32
      %parallel_loop3A_276 = arith.constant 0 : i32
      %parallel_loop3A_277 = tpu.memref_slice %arg6[%parallel_loop3A_155, %parallel_loop3A_275, %parallel_loop3A_276] : memref<2x200x128xi32, #tpu.memory_space<vmem>> -> memref<1x200x128xi32, #tpu.memory_space<vmem>>
      %parallel_loop3A_278 = tpu.memref_squeeze %parallel_loop3A_277 : memref<1x200x128xi32, #tpu.memory_space<vmem>> -> memref<200x128xi32, #tpu.memory_space<vmem>>
      %parallel_loop3A_279 = arith.index_cast %parallel_loop3A_244 : i32 to index
      %parallel_loop3A_280 = arith.constant 32 : index
      %parallel_loop3A_281 = tpu.vector_load %parallel_loop3A_278[%parallel_loop3A_279, %parallel_loop3A_280] {strides = array<i32>} : memref<200x128xi32, #tpu.memory_space<vmem>>, vector<16xi32>,
      %parallel_loop3A_282 = tpu.vector_load_idx %arg5[%parallel_loop3A_281] : memref<1024xf32, #tpu.memory_space<vmem>>[vector<16xi32>], vector<16xf32>,
      %parallel_loop3A_283 = arith.constant 0 : i32
      %parallel_loop3A_284 = arith.constant 0 : i32
      %parallel_loop3A_285 = tpu.memref_slice %arg7[%parallel_loop3A_156, %parallel_loop3A_283, %parallel_loop3A_284] : memref<2x200x128xf32, #tpu.memory_space<vmem>> -> memref<1x200x128xf32, #tpu.memory_space<vmem>>
      %parallel_loop3A_286 = tpu.memref_squeeze %parallel_loop3A_285 : memref<1x200x128xf32, #tpu.memory_space<vmem>> -> memref<200x128xf32, #tpu.memory_space<vmem>>
      %parallel_loop3A_287 = arith.index_cast %parallel_loop3A_244 : i32 to index
      %parallel_loop3A_288 = arith.constant 32 : index
      %parallel_loop3A_289 = tpu.vector_load %parallel_loop3A_286[%parallel_loop3A_287, %parallel_loop3A_288] {strides = array<i32>} : memref<200x128xf32, #tpu.memory_space<vmem>>, vector<16xf32>,
      tpu.vector_store %parallel_loop3A_286[%parallel_loop3A_287, %parallel_loop3A_288], %parallel_loop3A_282 {strides = array<i32>} : memref<200x128xf32, #tpu.memory_space<vmem>>, vector<16xf32>,
      %parallel_loop3A_290 = arith.constant 0 : i32
      %parallel_loop3A_291 = arith.constant 0 : i32
      %parallel_loop3A_292 = tpu.memref_slice %arg6[%parallel_loop3A_155, %parallel_loop3A_290, %parallel_loop3A_291] : memref<2x200x128xi32, #tpu.memory_space<vmem>> -> memref<1x200x128xi32, #tpu.memory_space<vmem>>
      %parallel_loop3A_293 = tpu.memref_squeeze %parallel_loop3A_292 : memref<1x200x128xi32, #tpu.memory_space<vmem>> -> memref<200x128xi32, #tpu.memory_space<vmem>>
      %parallel_loop3A_294 = arith.index_cast %parallel_loop3A_244 : i32 to index
      %parallel_loop3A_295 = arith.constant 48 : index
      %parallel_loop3A_296 = tpu.vector_load %parallel_loop3A_293[%parallel_loop3A_294, %parallel_loop3A_295] {strides = array<i32>} : memref<200x128xi32, #tpu.memory_space<vmem>>, vector<16xi32>,
      %parallel_loop3A_297 = tpu.vector_load_idx %arg5[%parallel_loop3A_296] : memref<1024xf32, #tpu.memory_space<vmem>>[vector<16xi32>], vector<16xf32>,
      %parallel_loop3A_298 = arith.constant 0 : i32
      %parallel_loop3A_299 = arith.constant 0 : i32
      %parallel_loop3A_300 = tpu.memref_slice %arg7[%parallel_loop3A_156, %parallel_loop3A_298, %parallel_loop3A_299] : memref<2x200x128xf32, #tpu.memory_space<vmem>> -> memref<1x200x128xf32, #tpu.memory_space<vmem>>
      %parallel_loop3A_301 = tpu.memref_squeeze %parallel_loop3A_300 : memref<1x200x128xf32, #tpu.memory_space<vmem>> -> memref<200x128xf32, #tpu.memory_space<vmem>>
      %parallel_loop3A_302 = arith.index_cast %parallel_loop3A_244 : i32 to index
      %parallel_loop3A_303 = arith.constant 48 : index
      %parallel_loop3A_304 = tpu.vector_load %parallel_loop3A_301[%parallel_loop3A_302, %parallel_loop3A_303] {strides = array<i32>} : memref<200x128xf32, #tpu.memory_space<vmem>>, vector<16xf32>,
      tpu.vector_store %parallel_loop3A_301[%parallel_loop3A_302, %parallel_loop3A_303], %parallel_loop3A_297 {strides = array<i32>} : memref<200x128xf32, #tpu.memory_space<vmem>>, vector<16xf32>,
      %parallel_loop3A_305 = arith.constant 0 : i32
      %parallel_loop3A_306 = arith.constant 0 : i32
      %parallel_loop3A_307 = tpu.memref_slice %arg6[%parallel_loop3A_155, %parallel_loop3A_305, %parallel_loop3A_306] : memref<2x200x128xi32, #tpu.memory_space<vmem>> -> memref<1x200x128xi32, #tpu.memory_space<vmem>>
      %parallel_loop3A_308 = tpu.memref_squeeze %parallel_loop3A_307 : memref<1x200x128xi32, #tpu.memory_space<vmem>> -> memref<200x128xi32, #tpu.memory_space<vmem>>
      %parallel_loop3A_309 = arith.index_cast %parallel_loop3A_244 : i32 to index
      %parallel_loop3A_310 = arith.constant 64 : index
      %parallel_loop3A_311 = tpu.vector_load %parallel_loop3A_308[%parallel_loop3A_309, %parallel_loop3A_310] {strides = array<i32>} : memref<200x128xi32, #tpu.memory_space<vmem>>, vector<16xi32>,
      %parallel_loop3A_312 = tpu.vector_load_idx %arg5[%parallel_loop3A_311] : memref<1024xf32, #tpu.memory_space<vmem>>[vector<16xi32>], vector<16xf32>,
      %parallel_loop3A_313 = arith.constant 0 : i32
      %parallel_loop3A_314 = arith.constant 0 : i32
      %parallel_loop3A_315 = tpu.memref_slice %arg7[%parallel_loop3A_156, %parallel_loop3A_313, %parallel_loop3A_314] : memref<2x200x128xf32, #tpu.memory_space<vmem>> -> memref<1x200x128xf32, #tpu.memory_space<vmem>>
      %parallel_loop3A_316 = tpu.memref_squeeze %parallel_loop3A_315 : memref<1x200x128xf32, #tpu.memory_space<vmem>> -> memref<200x128xf32, #tpu.memory_space<vmem>>
      %parallel_loop3A_317 = arith.index_cast %parallel_loop3A_244 : i32 to index
      %parallel_loop3A_318 = arith.constant 64 : index
      %parallel_loop3A_319 = tpu.vector_load %parallel_loop3A_316[%parallel_loop3A_317, %parallel_loop3A_318] {strides = array<i32>} : memref<200x128xf32, #tpu.memory_space<vmem>>, vector<16xf32>,
      tpu.vector_store %parallel_loop3A_316[%parallel_loop3A_317, %parallel_loop3A_318], %parallel_loop3A_312 {strides = array<i32>} : memref<200x128xf32, #tpu.memory_space<vmem>>, vector<16xf32>,
      %parallel_loop3A_320 = arith.constant 0 : i32
      %parallel_loop3A_321 = arith.constant 0 : i32
      %parallel_loop3A_322 = tpu.memref_slice %arg6[%parallel_loop3A_155, %parallel_loop3A_320, %parallel_loop3A_321] : memref<2x200x128xi32, #tpu.memory_space<vmem>> -> memref<1x200x128xi32, #tpu.memory_space<vmem>>
      %parallel_loop3A_323 = tpu.memref_squeeze %parallel_loop3A_322 : memref<1x200x128xi32, #tpu.memory_space<vmem>> -> memref<200x128xi32, #tpu.memory_space<vmem>>
      %parallel_loop3A_324 = arith.index_cast %parallel_loop3A_244 : i32 to index
      %parallel_loop3A_325 = arith.constant 80 : index
      %parallel_loop3A_326 = tpu.vector_load %parallel_loop3A_323[%parallel_loop3A_324, %parallel_loop3A_325] {strides = array<i32>} : memref<200x128xi32, #tpu.memory_space<vmem>>, vector<16xi32>,
      %parallel_loop3A_327 = tpu.vector_load_idx %arg5[%parallel_loop3A_326] : memref<1024xf32, #tpu.memory_space<vmem>>[vector<16xi32>], vector<16xf32>,
      %parallel_loop3A_328 = arith.constant 0 : i32
      %parallel_loop3A_329 = arith.constant 0 : i32
      %parallel_loop3A_330 = tpu.memref_slice %arg7[%parallel_loop3A_156, %parallel_loop3A_328, %parallel_loop3A_329] : memref<2x200x128xf32, #tpu.memory_space<vmem>> -> memref<1x200x128xf32, #tpu.memory_space<vmem>>
      %parallel_loop3A_331 = tpu.memref_squeeze %parallel_loop3A_330 : memref<1x200x128xf32, #tpu.memory_space<vmem>> -> memref<200x128xf32, #tpu.memory_space<vmem>>
      %parallel_loop3A_332 = arith.index_cast %parallel_loop3A_244 : i32 to index
      %parallel_loop3A_333 = arith.constant 80 : index
      %parallel_loop3A_334 = tpu.vector_load %parallel_loop3A_331[%parallel_loop3A_332, %parallel_loop3A_333] {strides = array<i32>} : memref<200x128xf32, #tpu.memory_space<vmem>>, vector<16xf32>,
      tpu.vector_store %parallel_loop3A_331[%parallel_loop3A_332, %parallel_loop3A_333], %parallel_loop3A_327 {strides = array<i32>} : memref<200x128xf32, #tpu.memory_space<vmem>>, vector<16xf32>,
      %parallel_loop3A_335 = arith.constant 0 : i32
      %parallel_loop3A_336 = arith.constant 0 : i32
      %parallel_loop3A_337 = tpu.memref_slice %arg6[%parallel_loop3A_155, %parallel_loop3A_335, %parallel_loop3A_336] : memref<2x200x128xi32, #tpu.memory_space<vmem>> -> memref<1x200x128xi32, #tpu.memory_space<vmem>>
      %parallel_loop3A_338 = tpu.memref_squeeze %parallel_loop3A_337 : memref<1x200x128xi32, #tpu.memory_space<vmem>> -> memref<200x128xi32, #tpu.memory_space<vmem>>
      %parallel_loop3A_339 = arith.index_cast %parallel_loop3A_244 : i32 to index
      %parallel_loop3A_340 = arith.constant 96 : index
      %parallel_loop3A_341 = tpu.vector_load %parallel_loop3A_338[%parallel_loop3A_339, %parallel_loop3A_340] {strides = array<i32>} : memref<200x128xi32, #tpu.memory_space<vmem>>, vector<16xi32>,
      %parallel_loop3A_342 = tpu.vector_load_idx %arg5[%parallel_loop3A_341] : memref<1024xf32, #tpu.memory_space<vmem>>[vector<16xi32>], vector<16xf32>,
      %parallel_loop3A_343 = arith.constant 0 : i32
      %parallel_loop3A_344 = arith.constant 0 : i32
      %parallel_loop3A_345 = tpu.memref_slice %arg7[%parallel_loop3A_156, %parallel_loop3A_343, %parallel_loop3A_344] : memref<2x200x128xf32, #tpu.memory_space<vmem>> -> memref<1x200x128xf32, #tpu.memory_space<vmem>>
      %parallel_loop3A_346 = tpu.memref_squeeze %parallel_loop3A_345 : memref<1x200x128xf32, #tpu.memory_space<vmem>> -> memref<200x128xf32, #tpu.memory_space<vmem>>
      %parallel_loop3A_347 = arith.index_cast %parallel_loop3A_244 : i32 to index
      %parallel_loop3A_348 = arith.constant 96 : index
      %parallel_loop3A_349 = tpu.vector_load %parallel_loop3A_346[%parallel_loop3A_347, %parallel_loop3A_348] {strides = array<i32>} : memref<200x128xf32, #tpu.memory_space<vmem>>, vector<16xf32>,
      tpu.vector_store %parallel_loop3A_346[%parallel_loop3A_347, %parallel_loop3A_348], %parallel_loop3A_342 {strides = array<i32>} : memref<200x128xf32, #tpu.memory_space<vmem>>, vector<16xf32>,
      %parallel_loop3A_350 = arith.constant 0 : i32
      %parallel_loop3A_351 = arith.constant 0 : i32
      %parallel_loop3A_352 = tpu.memref_slice %arg6[%parallel_loop3A_155, %parallel_loop3A_350, %parallel_loop3A_351] : memref<2x200x128xi32, #tpu.memory_space<vmem>> -> memref<1x200x128xi32, #tpu.memory_space<vmem>>
      %parallel_loop3A_353 = tpu.memref_squeeze %parallel_loop3A_352 : memref<1x200x128xi32, #tpu.memory_space<vmem>> -> memref<200x128xi32, #tpu.memory_space<vmem>>
      %parallel_loop3A_354 = arith.index_cast %parallel_loop3A_244 : i32 to index
      %parallel_loop3A_355 = arith.constant 112 : index
      %parallel_loop3A_356 = tpu.vector_load %parallel_loop3A_353[%parallel_loop3A_354, %parallel_loop3A_355] {strides = array<i32>} : memref<200x128xi32, #tpu.memory_space<vmem>>, vector<16xi32>,
      %parallel_loop3A_357 = tpu.vector_load_idx %arg5[%parallel_loop3A_356] : memref<1024xf32, #tpu.memory_space<vmem>>[vector<16xi32>], vector<16xf32>,
      %parallel_loop3A_358 = arith.constant 0 : i32
      %parallel_loop3A_359 = arith.constant 0 : i32
      %parallel_loop3A_360 = tpu.memref_slice %arg7[%parallel_loop3A_156, %parallel_loop3A_358, %parallel_loop3A_359] : memref<2x200x128xf32, #tpu.memory_space<vmem>> -> memref<1x200x128xf32, #tpu.memory_space<vmem>>
      %parallel_loop3A_361 = tpu.memref_squeeze %parallel_loop3A_360 : memref<1x200x128xf32, #tpu.memory_space<vmem>> -> memref<200x128xf32, #tpu.memory_space<vmem>>
      %parallel_loop3A_362 = arith.index_cast %parallel_loop3A_244 : i32 to index
      %parallel_loop3A_363 = arith.constant 112 : index
      %parallel_loop3A_364 = tpu.vector_load %parallel_loop3A_361[%parallel_loop3A_362, %parallel_loop3A_363] {strides = array<i32>} : memref<200x128xf32, #tpu.memory_space<vmem>>, vector<16xf32>,
      tpu.vector_store %parallel_loop3A_361[%parallel_loop3A_362, %parallel_loop3A_363], %parallel_loop3A_357 {strides = array<i32>} : memref<200x128xf32, #tpu.memory_space<vmem>>, vector<16xf32>,
    } {sc.loop_unroll_factor = 1 : i64, sc.parallel_access}
    %add3A_157 = arith.constant 256 : i32
    %add3A_158 = arith.addi %mul3A_2, %add3A_157 : i32
    %dma_start3A_159 = arith.constant 0 : i32
    %dma_start3A_160 = arith.constant 0 : i32
    %dma_start3A_161 = arith.constant 0 : i32
    %dma_start3A_162 = tpu.memref_slice %arg7[%dma_start3A_159, %dma_start3A_160, %dma_start3A_161] : memref<2x200x128xf32, #tpu.memory_space<vmem>> -> memref<1x200x128xf32, #tpu.memory_space<vmem>>
    %dma_start3A_163 = tpu.memref_squeeze %dma_start3A_162 : memref<1x200x128xf32, #tpu.memory_space<vmem>> -> memref<200x128xf32, #tpu.memory_space<vmem>>
    %dma_start3A_164 = arith.constant 0 : i32
    %dma_start3A_165 = tpu.memref_slice %arg4[%dma_start3A_164, %add3A_158] : memref<200x16384xf32, #tpu.memory_space<hbm>> -> memref<200x128xf32, #tpu.memory_space<hbm>>
    %dma_start3A_166 = arith.constant 0 : i32
    %dma_start3A_167 = tpu.memref_slice %arg4[%dma_start3A_166, %add3A_158] : memref<200x16384xf32, #tpu.memory_space<hbm>> -> memref<200x128xf32, #tpu.memory_space<hbm>>
    %dma_start3A_168 = arith.constant 0 : i32
    %dma_start3A_169 = arith.constant 0 : i32
    %dma_start3A_170 = tpu.memref_slice %arg7[%dma_start3A_159, %dma_start3A_168, %dma_start3A_169] : memref<2x200x128xf32, #tpu.memory_space<vmem>> -> memref<1x200x128xf32, #tpu.memory_space<vmem>>
    %dma_start3A_171 = tpu.memref_squeeze %dma_start3A_170 : memref<1x200x128xf32, #tpu.memory_space<vmem>> -> memref<200x128xf32, #tpu.memory_space<vmem>>
    tpu.enqueue_dma source(%dma_start3A_171 : memref<200x128xf32, #tpu.memory_space<vmem>>) target(%dma_start3A_167 : memref<200x128xf32, #tpu.memory_space<hbm>>) target_semaphore(%arg10 : memref<!tpu.dma_semaphore, #tpu.memory_space<semaphore_mem>>)
    %dma_wait3A_172 = arith.constant 1 : i32
    %dma_wait3A_173 = arith.constant 0 : i32
    %dma_wait3A_174 = arith.constant 0 : i32
    %dma_wait3A_175 = tpu.memref_slice %arg6[%dma_wait3A_172, %dma_wait3A_173, %dma_wait3A_174] : memref<2x200x128xi32, #tpu.memory_space<vmem>> -> memref<1x200x128xi32, #tpu.memory_space<vmem>>
    %dma_wait3A_176 = tpu.memref_squeeze %dma_wait3A_175 : memref<1x200x128xi32, #tpu.memory_space<vmem>> -> memref<200x128xi32, #tpu.memory_space<vmem>>
    %dma_wait3A_177 = arith.constant 0 : i32
    %dma_wait3A_178 = tpu.memref_slice %arg3[%dma_wait3A_177, %add3A_112] : memref<200x16384xi32, #tpu.memory_space<hbm>> -> memref<200x128xi32, #tpu.memory_space<hbm>>
    %dma_wait3A_179 = arith.constant 0 : i32
    %dma_wait3A_180 = arith.constant 0 : i32
    %dma_wait3A_181 = tpu.memref_slice %arg6[%dma_wait3A_172, %dma_wait3A_179, %dma_wait3A_180] : memref<2x200x128xi32, #tpu.memory_space<vmem>> -> memref<1x200x128xi32, #tpu.memory_space<vmem>>
    %dma_wait3A_182 = tpu.memref_squeeze %dma_wait3A_181 : memref<1x200x128xi32, #tpu.memory_space<vmem>> -> memref<200x128xi32, #tpu.memory_space<vmem>>
    %dma_wait3A_183 = arith.constant 0 : i32
    %dma_wait3A_184 = tpu.memref_slice %arg3[%dma_wait3A_183, %add3A_112] : memref<200x16384xi32, #tpu.memory_space<hbm>> -> memref<200x128xi32, #tpu.memory_space<hbm>>
    tpu.wait_dma2 semaphore(%arg9 : memref<!tpu.dma_semaphore, #tpu.memory_space<semaphore_mem>>) src(%dma_wait3A_184 : memref<200x128xi32, #tpu.memory_space<hbm>>) dst(%dma_wait3A_182 : memref<200x128xi32, #tpu.memory_space<vmem>>)
    %dma_wait3A_185 = arith.constant 1 : i32
    %dma_wait3A_186 = arith.constant 0 : i32
    %dma_wait3A_187 = arith.constant 0 : i32
    %dma_wait3A_188 = tpu.memref_slice %arg7[%dma_wait3A_185, %dma_wait3A_186, %dma_wait3A_187] : memref<2x200x128xf32, #tpu.memory_space<vmem>> -> memref<1x200x128xf32, #tpu.memory_space<vmem>>
    %dma_wait3A_189 = tpu.memref_squeeze %dma_wait3A_188 : memref<1x200x128xf32, #tpu.memory_space<vmem>> -> memref<200x128xf32, #tpu.memory_space<vmem>>
    %dma_wait3A_190 = arith.constant 0 : i32
    %dma_wait3A_191 = tpu.memref_slice %arg4[%dma_wait3A_190, %add3A_97] : memref<200x16384xf32, #tpu.memory_space<hbm>> -> memref<200x128xf32, #tpu.memory_space<hbm>>
    %dma_wait3A_192 = arith.constant 0 : i32
    %dma_wait3A_193 = tpu.memref_slice %arg4[%dma_wait3A_192, %add3A_97] : memref<200x16384xf32, #tpu.memory_space<hbm>> -> memref<200x128xf32, #tpu.memory_space<hbm>>
    %dma_wait3A_194 = arith.constant 0 : i32
    %dma_wait3A_195 = arith.constant 0 : i32
    %dma_wait3A_196 = tpu.memref_slice %arg7[%dma_wait3A_185, %dma_wait3A_194, %dma_wait3A_195] : memref<2x200x128xf32, #tpu.memory_space<vmem>> -> memref<1x200x128xf32, #tpu.memory_space<vmem>>
    %dma_wait3A_197 = tpu.memref_squeeze %dma_wait3A_196 : memref<1x200x128xf32, #tpu.memory_space<vmem>> -> memref<200x128xf32, #tpu.memory_space<vmem>>
    tpu.wait_dma2 semaphore(%arg11 : memref<!tpu.dma_semaphore, #tpu.memory_space<semaphore_mem>>) src(%dma_wait3A_197 : memref<200x128xf32, #tpu.memory_space<vmem>>) dst(%dma_wait3A_193 : memref<200x128xf32, #tpu.memory_space<hbm>>)
    %parallel_loop3A_198 = arith.constant 0 : i32
    %parallel_loop3A_199 = arith.constant 200 : i32
    %parallel_loop3A_200 = arith.constant 1 : i32
    %parallel_loop3A_201 = arith.constant 1 : i32
    %parallel_loop3A_202 = arith.constant 1 : i32
    scf.for %parallel_loop3A_244 = %parallel_loop3A_198 to %parallel_loop3A_199 step %parallel_loop3A_200  : i32 {
      %parallel_loop3A_245 = arith.constant 0 : i32
      %parallel_loop3A_246 = arith.constant 0 : i32
      %parallel_loop3A_247 = tpu.memref_slice %arg6[%parallel_loop3A_201, %parallel_loop3A_245, %parallel_loop3A_246] : memref<2x200x128xi32, #tpu.memory_space<vmem>> -> memref<1x200x128xi32, #tpu.memory_space<vmem>>
      %parallel_loop3A_248 = tpu.memref_squeeze %parallel_loop3A_247 : memref<1x200x128xi32, #tpu.memory_space<vmem>> -> memref<200x128xi32, #tpu.memory_space<vmem>>
      %parallel_loop3A_249 = arith.index_cast %parallel_loop3A_244 : i32 to index
      %parallel_loop3A_250 = arith.constant 0 : index
      %parallel_loop3A_251 = tpu.vector_load %parallel_loop3A_248[%parallel_loop3A_249, %parallel_loop3A_250] {strides = array<i32>} : memref<200x128xi32, #tpu.memory_space<vmem>>, vector<16xi32>,
      %parallel_loop3A_252 = tpu.vector_load_idx %arg5[%parallel_loop3A_251] : memref<1024xf32, #tpu.memory_space<vmem>>[vector<16xi32>], vector<16xf32>,
      %parallel_loop3A_253 = arith.constant 0 : i32
      %parallel_loop3A_254 = arith.constant 0 : i32
      %parallel_loop3A_255 = tpu.memref_slice %arg7[%parallel_loop3A_202, %parallel_loop3A_253, %parallel_loop3A_254] : memref<2x200x128xf32, #tpu.memory_space<vmem>> -> memref<1x200x128xf32, #tpu.memory_space<vmem>>
      %parallel_loop3A_256 = tpu.memref_squeeze %parallel_loop3A_255 : memref<1x200x128xf32, #tpu.memory_space<vmem>> -> memref<200x128xf32, #tpu.memory_space<vmem>>
      %parallel_loop3A_257 = arith.index_cast %parallel_loop3A_244 : i32 to index
      %parallel_loop3A_258 = arith.constant 0 : index
      %parallel_loop3A_259 = tpu.vector_load %parallel_loop3A_256[%parallel_loop3A_257, %parallel_loop3A_258] {strides = array<i32>} : memref<200x128xf32, #tpu.memory_space<vmem>>, vector<16xf32>,
      tpu.vector_store %parallel_loop3A_256[%parallel_loop3A_257, %parallel_loop3A_258], %parallel_loop3A_252 {strides = array<i32>} : memref<200x128xf32, #tpu.memory_space<vmem>>, vector<16xf32>,
      %parallel_loop3A_260 = arith.constant 0 : i32
      %parallel_loop3A_261 = arith.constant 0 : i32
      %parallel_loop3A_262 = tpu.memref_slice %arg6[%parallel_loop3A_201, %parallel_loop3A_260, %parallel_loop3A_261] : memref<2x200x128xi32, #tpu.memory_space<vmem>> -> memref<1x200x128xi32, #tpu.memory_space<vmem>>
      %parallel_loop3A_263 = tpu.memref_squeeze %parallel_loop3A_262 : memref<1x200x128xi32, #tpu.memory_space<vmem>> -> memref<200x128xi32, #tpu.memory_space<vmem>>
      %parallel_loop3A_264 = arith.index_cast %parallel_loop3A_244 : i32 to index
      %parallel_loop3A_265 = arith.constant 16 : index
      %parallel_loop3A_266 = tpu.vector_load %parallel_loop3A_263[%parallel_loop3A_264, %parallel_loop3A_265] {strides = array<i32>} : memref<200x128xi32, #tpu.memory_space<vmem>>, vector<16xi32>,
      %parallel_loop3A_267 = tpu.vector_load_idx %arg5[%parallel_loop3A_266] : memref<1024xf32, #tpu.memory_space<vmem>>[vector<16xi32>], vector<16xf32>,
      %parallel_loop3A_268 = arith.constant 0 : i32
      %parallel_loop3A_269 = arith.constant 0 : i32
      %parallel_loop3A_270 = tpu.memref_slice %arg7[%parallel_loop3A_202, %parallel_loop3A_268, %parallel_loop3A_269] : memref<2x200x128xf32, #tpu.memory_space<vmem>> -> memref<1x200x128xf32, #tpu.memory_space<vmem>>
      %parallel_loop3A_271 = tpu.memref_squeeze %parallel_loop3A_270 : memref<1x200x128xf32, #tpu.memory_space<vmem>> -> memref<200x128xf32, #tpu.memory_space<vmem>>
      %parallel_loop3A_272 = arith.index_cast %parallel_loop3A_244 : i32 to index
      %parallel_loop3A_273 = arith.constant 16 : index
      %parallel_loop3A_274 = tpu.vector_load %parallel_loop3A_271[%parallel_loop3A_272, %parallel_loop3A_273] {strides = array<i32>} : memref<200x128xf32, #tpu.memory_space<vmem>>, vector<16xf32>,
      tpu.vector_store %parallel_loop3A_271[%parallel_loop3A_272, %parallel_loop3A_273], %parallel_loop3A_267 {strides = array<i32>} : memref<200x128xf32, #tpu.memory_space<vmem>>, vector<16xf32>,
      %parallel_loop3A_275 = arith.constant 0 : i32
      %parallel_loop3A_276 = arith.constant 0 : i32
      %parallel_loop3A_277 = tpu.memref_slice %arg6[%parallel_loop3A_201, %parallel_loop3A_275, %parallel_loop3A_276] : memref<2x200x128xi32, #tpu.memory_space<vmem>> -> memref<1x200x128xi32, #tpu.memory_space<vmem>>
      %parallel_loop3A_278 = tpu.memref_squeeze %parallel_loop3A_277 : memref<1x200x128xi32, #tpu.memory_space<vmem>> -> memref<200x128xi32, #tpu.memory_space<vmem>>
      %parallel_loop3A_279 = arith.index_cast %parallel_loop3A_244 : i32 to index
      %parallel_loop3A_280 = arith.constant 32 : index
      %parallel_loop3A_281 = tpu.vector_load %parallel_loop3A_278[%parallel_loop3A_279, %parallel_loop3A_280] {strides = array<i32>} : memref<200x128xi32, #tpu.memory_space<vmem>>, vector<16xi32>,
      %parallel_loop3A_282 = tpu.vector_load_idx %arg5[%parallel_loop3A_281] : memref<1024xf32, #tpu.memory_space<vmem>>[vector<16xi32>], vector<16xf32>,
      %parallel_loop3A_283 = arith.constant 0 : i32
      %parallel_loop3A_284 = arith.constant 0 : i32
      %parallel_loop3A_285 = tpu.memref_slice %arg7[%parallel_loop3A_202, %parallel_loop3A_283, %parallel_loop3A_284] : memref<2x200x128xf32, #tpu.memory_space<vmem>> -> memref<1x200x128xf32, #tpu.memory_space<vmem>>
      %parallel_loop3A_286 = tpu.memref_squeeze %parallel_loop3A_285 : memref<1x200x128xf32, #tpu.memory_space<vmem>> -> memref<200x128xf32, #tpu.memory_space<vmem>>
      %parallel_loop3A_287 = arith.index_cast %parallel_loop3A_244 : i32 to index
      %parallel_loop3A_288 = arith.constant 32 : index
      %parallel_loop3A_289 = tpu.vector_load %parallel_loop3A_286[%parallel_loop3A_287, %parallel_loop3A_288] {strides = array<i32>} : memref<200x128xf32, #tpu.memory_space<vmem>>, vector<16xf32>,
      tpu.vector_store %parallel_loop3A_286[%parallel_loop3A_287, %parallel_loop3A_288], %parallel_loop3A_282 {strides = array<i32>} : memref<200x128xf32, #tpu.memory_space<vmem>>, vector<16xf32>,
      %parallel_loop3A_290 = arith.constant 0 : i32
      %parallel_loop3A_291 = arith.constant 0 : i32
      %parallel_loop3A_292 = tpu.memref_slice %arg6[%parallel_loop3A_201, %parallel_loop3A_290, %parallel_loop3A_291] : memref<2x200x128xi32, #tpu.memory_space<vmem>> -> memref<1x200x128xi32, #tpu.memory_space<vmem>>
      %parallel_loop3A_293 = tpu.memref_squeeze %parallel_loop3A_292 : memref<1x200x128xi32, #tpu.memory_space<vmem>> -> memref<200x128xi32, #tpu.memory_space<vmem>>
      %parallel_loop3A_294 = arith.index_cast %parallel_loop3A_244 : i32 to index
      %parallel_loop3A_295 = arith.constant 48 : index
      %parallel_loop3A_296 = tpu.vector_load %parallel_loop3A_293[%parallel_loop3A_294, %parallel_loop3A_295] {strides = array<i32>} : memref<200x128xi32, #tpu.memory_space<vmem>>, vector<16xi32>,
      %parallel_loop3A_297 = tpu.vector_load_idx %arg5[%parallel_loop3A_296] : memref<1024xf32, #tpu.memory_space<vmem>>[vector<16xi32>], vector<16xf32>,
      %parallel_loop3A_298 = arith.constant 0 : i32
      %parallel_loop3A_299 = arith.constant 0 : i32
      %parallel_loop3A_300 = tpu.memref_slice %arg7[%parallel_loop3A_202, %parallel_loop3A_298, %parallel_loop3A_299] : memref<2x200x128xf32, #tpu.memory_space<vmem>> -> memref<1x200x128xf32, #tpu.memory_space<vmem>>
      %parallel_loop3A_301 = tpu.memref_squeeze %parallel_loop3A_300 : memref<1x200x128xf32, #tpu.memory_space<vmem>> -> memref<200x128xf32, #tpu.memory_space<vmem>>
      %parallel_loop3A_302 = arith.index_cast %parallel_loop3A_244 : i32 to index
      %parallel_loop3A_303 = arith.constant 48 : index
      %parallel_loop3A_304 = tpu.vector_load %parallel_loop3A_301[%parallel_loop3A_302, %parallel_loop3A_303] {strides = array<i32>} : memref<200x128xf32, #tpu.memory_space<vmem>>, vector<16xf32>,
      tpu.vector_store %parallel_loop3A_301[%parallel_loop3A_302, %parallel_loop3A_303], %parallel_loop3A_297 {strides = array<i32>} : memref<200x128xf32, #tpu.memory_space<vmem>>, vector<16xf32>,
      %parallel_loop3A_305 = arith.constant 0 : i32
      %parallel_loop3A_306 = arith.constant 0 : i32
      %parallel_loop3A_307 = tpu.memref_slice %arg6[%parallel_loop3A_201, %parallel_loop3A_305, %parallel_loop3A_306] : memref<2x200x128xi32, #tpu.memory_space<vmem>> -> memref<1x200x128xi32, #tpu.memory_space<vmem>>
      %parallel_loop3A_308 = tpu.memref_squeeze %parallel_loop3A_307 : memref<1x200x128xi32, #tpu.memory_space<vmem>> -> memref<200x128xi32, #tpu.memory_space<vmem>>
      %parallel_loop3A_309 = arith.index_cast %parallel_loop3A_244 : i32 to index
      %parallel_loop3A_310 = arith.constant 64 : index
      %parallel_loop3A_311 = tpu.vector_load %parallel_loop3A_308[%parallel_loop3A_309, %parallel_loop3A_310] {strides = array<i32>} : memref<200x128xi32, #tpu.memory_space<vmem>>, vector<16xi32>,
      %parallel_loop3A_312 = tpu.vector_load_idx %arg5[%parallel_loop3A_311] : memref<1024xf32, #tpu.memory_space<vmem>>[vector<16xi32>], vector<16xf32>,
      %parallel_loop3A_313 = arith.constant 0 : i32
      %parallel_loop3A_314 = arith.constant 0 : i32
      %parallel_loop3A_315 = tpu.memref_slice %arg7[%parallel_loop3A_202, %parallel_loop3A_313, %parallel_loop3A_314] : memref<2x200x128xf32, #tpu.memory_space<vmem>> -> memref<1x200x128xf32, #tpu.memory_space<vmem>>
      %parallel_loop3A_316 = tpu.memref_squeeze %parallel_loop3A_315 : memref<1x200x128xf32, #tpu.memory_space<vmem>> -> memref<200x128xf32, #tpu.memory_space<vmem>>
      %parallel_loop3A_317 = arith.index_cast %parallel_loop3A_244 : i32 to index
      %parallel_loop3A_318 = arith.constant 64 : index
      %parallel_loop3A_319 = tpu.vector_load %parallel_loop3A_316[%parallel_loop3A_317, %parallel_loop3A_318] {strides = array<i32>} : memref<200x128xf32, #tpu.memory_space<vmem>>, vector<16xf32>,
      tpu.vector_store %parallel_loop3A_316[%parallel_loop3A_317, %parallel_loop3A_318], %parallel_loop3A_312 {strides = array<i32>} : memref<200x128xf32, #tpu.memory_space<vmem>>, vector<16xf32>,
      %parallel_loop3A_320 = arith.constant 0 : i32
      %parallel_loop3A_321 = arith.constant 0 : i32
      %parallel_loop3A_322 = tpu.memref_slice %arg6[%parallel_loop3A_201, %parallel_loop3A_320, %parallel_loop3A_321] : memref<2x200x128xi32, #tpu.memory_space<vmem>> -> memref<1x200x128xi32, #tpu.memory_space<vmem>>
      %parallel_loop3A_323 = tpu.memref_squeeze %parallel_loop3A_322 : memref<1x200x128xi32, #tpu.memory_space<vmem>> -> memref<200x128xi32, #tpu.memory_space<vmem>>
      %parallel_loop3A_324 = arith.index_cast %parallel_loop3A_244 : i32 to index
      %parallel_loop3A_325 = arith.constant 80 : index
      %parallel_loop3A_326 = tpu.vector_load %parallel_loop3A_323[%parallel_loop3A_324, %parallel_loop3A_325] {strides = array<i32>} : memref<200x128xi32, #tpu.memory_space<vmem>>, vector<16xi32>,
      %parallel_loop3A_327 = tpu.vector_load_idx %arg5[%parallel_loop3A_326] : memref<1024xf32, #tpu.memory_space<vmem>>[vector<16xi32>], vector<16xf32>,
      %parallel_loop3A_328 = arith.constant 0 : i32
      %parallel_loop3A_329 = arith.constant 0 : i32
      %parallel_loop3A_330 = tpu.memref_slice %arg7[%parallel_loop3A_202, %parallel_loop3A_328, %parallel_loop3A_329] : memref<2x200x128xf32, #tpu.memory_space<vmem>> -> memref<1x200x128xf32, #tpu.memory_space<vmem>>
      %parallel_loop3A_331 = tpu.memref_squeeze %parallel_loop3A_330 : memref<1x200x128xf32, #tpu.memory_space<vmem>> -> memref<200x128xf32, #tpu.memory_space<vmem>>
      %parallel_loop3A_332 = arith.index_cast %parallel_loop3A_244 : i32 to index
      %parallel_loop3A_333 = arith.constant 80 : index
      %parallel_loop3A_334 = tpu.vector_load %parallel_loop3A_331[%parallel_loop3A_332, %parallel_loop3A_333] {strides = array<i32>} : memref<200x128xf32, #tpu.memory_space<vmem>>, vector<16xf32>,
      tpu.vector_store %parallel_loop3A_331[%parallel_loop3A_332, %parallel_loop3A_333], %parallel_loop3A_327 {strides = array<i32>} : memref<200x128xf32, #tpu.memory_space<vmem>>, vector<16xf32>,
      %parallel_loop3A_335 = arith.constant 0 : i32
      %parallel_loop3A_336 = arith.constant 0 : i32
      %parallel_loop3A_337 = tpu.memref_slice %arg6[%parallel_loop3A_201, %parallel_loop3A_335, %parallel_loop3A_336] : memref<2x200x128xi32, #tpu.memory_space<vmem>> -> memref<1x200x128xi32, #tpu.memory_space<vmem>>
      %parallel_loop3A_338 = tpu.memref_squeeze %parallel_loop3A_337 : memref<1x200x128xi32, #tpu.memory_space<vmem>> -> memref<200x128xi32, #tpu.memory_space<vmem>>
      %parallel_loop3A_339 = arith.index_cast %parallel_loop3A_244 : i32 to index
      %parallel_loop3A_340 = arith.constant 96 : index
      %parallel_loop3A_341 = tpu.vector_load %parallel_loop3A_338[%parallel_loop3A_339, %parallel_loop3A_340] {strides = array<i32>} : memref<200x128xi32, #tpu.memory_space<vmem>>, vector<16xi32>,
      %parallel_loop3A_342 = tpu.vector_load_idx %arg5[%parallel_loop3A_341] : memref<1024xf32, #tpu.memory_space<vmem>>[vector<16xi32>], vector<16xf32>,
      %parallel_loop3A_343 = arith.constant 0 : i32
      %parallel_loop3A_344 = arith.constant 0 : i32
      %parallel_loop3A_345 = tpu.memref_slice %arg7[%parallel_loop3A_202, %parallel_loop3A_343, %parallel_loop3A_344] : memref<2x200x128xf32, #tpu.memory_space<vmem>> -> memref<1x200x128xf32, #tpu.memory_space<vmem>>
      %parallel_loop3A_346 = tpu.memref_squeeze %parallel_loop3A_345 : memref<1x200x128xf32, #tpu.memory_space<vmem>> -> memref<200x128xf32, #tpu.memory_space<vmem>>
      %parallel_loop3A_347 = arith.index_cast %parallel_loop3A_244 : i32 to index
      %parallel_loop3A_348 = arith.constant 96 : index
      %parallel_loop3A_349 = tpu.vector_load %parallel_loop3A_346[%parallel_loop3A_347, %parallel_loop3A_348] {strides = array<i32>} : memref<200x128xf32, #tpu.memory_space<vmem>>, vector<16xf32>,
      tpu.vector_store %parallel_loop3A_346[%parallel_loop3A_347, %parallel_loop3A_348], %parallel_loop3A_342 {strides = array<i32>} : memref<200x128xf32, #tpu.memory_space<vmem>>, vector<16xf32>,
      %parallel_loop3A_350 = arith.constant 0 : i32
      %parallel_loop3A_351 = arith.constant 0 : i32
      %parallel_loop3A_352 = tpu.memref_slice %arg6[%parallel_loop3A_201, %parallel_loop3A_350, %parallel_loop3A_351] : memref<2x200x128xi32, #tpu.memory_space<vmem>> -> memref<1x200x128xi32, #tpu.memory_space<vmem>>
      %parallel_loop3A_353 = tpu.memref_squeeze %parallel_loop3A_352 : memref<1x200x128xi32, #tpu.memory_space<vmem>> -> memref<200x128xi32, #tpu.memory_space<vmem>>
      %parallel_loop3A_354 = arith.index_cast %parallel_loop3A_244 : i32 to index
      %parallel_loop3A_355 = arith.constant 112 : index
      %parallel_loop3A_356 = tpu.vector_load %parallel_loop3A_353[%parallel_loop3A_354, %parallel_loop3A_355] {strides = array<i32>} : memref<200x128xi32, #tpu.memory_space<vmem>>, vector<16xi32>,
      %parallel_loop3A_357 = tpu.vector_load_idx %arg5[%parallel_loop3A_356] : memref<1024xf32, #tpu.memory_space<vmem>>[vector<16xi32>], vector<16xf32>,
      %parallel_loop3A_358 = arith.constant 0 : i32
      %parallel_loop3A_359 = arith.constant 0 : i32
      %parallel_loop3A_360 = tpu.memref_slice %arg7[%parallel_loop3A_202, %parallel_loop3A_358, %parallel_loop3A_359] : memref<2x200x128xf32, #tpu.memory_space<vmem>> -> memref<1x200x128xf32, #tpu.memory_space<vmem>>
      %parallel_loop3A_361 = tpu.memref_squeeze %parallel_loop3A_360 : memref<1x200x128xf32, #tpu.memory_space<vmem>> -> memref<200x128xf32, #tpu.memory_space<vmem>>
      %parallel_loop3A_362 = arith.index_cast %parallel_loop3A_244 : i32 to index
      %parallel_loop3A_363 = arith.constant 112 : index
      %parallel_loop3A_364 = tpu.vector_load %parallel_loop3A_361[%parallel_loop3A_362, %parallel_loop3A_363] {strides = array<i32>} : memref<200x128xf32, #tpu.memory_space<vmem>>, vector<16xf32>,
      tpu.vector_store %parallel_loop3A_361[%parallel_loop3A_362, %parallel_loop3A_363], %parallel_loop3A_357 {strides = array<i32>} : memref<200x128xf32, #tpu.memory_space<vmem>>, vector<16xf32>,
    } {sc.loop_unroll_factor = 1 : i64, sc.parallel_access}
    %add3A_203 = arith.constant 384 : i32
    %add3A_204 = arith.addi %mul3A_2, %add3A_203 : i32
    %dma_start3A_205 = arith.constant 1 : i32
    %dma_start3A_206 = arith.constant 0 : i32
    %dma_start3A_207 = arith.constant 0 : i32
    %dma_start3A_208 = tpu.memref_slice %arg7[%dma_start3A_205, %dma_start3A_206, %dma_start3A_207] : memref<2x200x128xf32, #tpu.memory_space<vmem>> -> memref<1x200x128xf32, #tpu.memory_space<vmem>>
    %dma_start3A_209 = tpu.memref_squeeze %dma_start3A_208 : memref<1x200x128xf32, #tpu.memory_space<vmem>> -> memref<200x128xf32, #tpu.memory_space<vmem>>
    %dma_start3A_210 = arith.constant 0 : i32
    %dma_start3A_211 = tpu.memref_slice %arg4[%dma_start3A_210, %add3A_204] : memref<200x16384xf32, #tpu.memory_space<hbm>> -> memref<200x128xf32, #tpu.memory_space<hbm>>
    %dma_start3A_212 = arith.constant 0 : i32
    %dma_start3A_213 = tpu.memref_slice %arg4[%dma_start3A_212, %add3A_204] : memref<200x16384xf32, #tpu.memory_space<hbm>> -> memref<200x128xf32, #tpu.memory_space<hbm>>
    %dma_start3A_214 = arith.constant 0 : i32
    %dma_start3A_215 = arith.constant 0 : i32
    %dma_start3A_216 = tpu.memref_slice %arg7[%dma_start3A_205, %dma_start3A_214, %dma_start3A_215] : memref<2x200x128xf32, #tpu.memory_space<vmem>> -> memref<1x200x128xf32, #tpu.memory_space<vmem>>
    %dma_start3A_217 = tpu.memref_squeeze %dma_start3A_216 : memref<1x200x128xf32, #tpu.memory_space<vmem>> -> memref<200x128xf32, #tpu.memory_space<vmem>>
    tpu.enqueue_dma source(%dma_start3A_217 : memref<200x128xf32, #tpu.memory_space<vmem>>) target(%dma_start3A_213 : memref<200x128xf32, #tpu.memory_space<hbm>>) target_semaphore(%arg11 : memref<!tpu.dma_semaphore, #tpu.memory_space<semaphore_mem>>)
    %dma_wait3A_218 = arith.constant 0 : i32
    %dma_wait3A_219 = arith.constant 0 : i32
    %dma_wait3A_220 = arith.constant 0 : i32
    %dma_wait3A_221 = tpu.memref_slice %arg7[%dma_wait3A_218, %dma_wait3A_219, %dma_wait3A_220] : memref<2x200x128xf32, #tpu.memory_space<vmem>> -> memref<1x200x128xf32, #tpu.memory_space<vmem>>
    %dma_wait3A_222 = tpu.memref_squeeze %dma_wait3A_221 : memref<1x200x128xf32, #tpu.memory_space<vmem>> -> memref<200x128xf32, #tpu.memory_space<vmem>>
    %dma_wait3A_223 = arith.constant 0 : i32
    %dma_wait3A_224 = tpu.memref_slice %arg4[%dma_wait3A_223, %add3A_158] : memref<200x16384xf32, #tpu.memory_space<hbm>> -> memref<200x128xf32, #tpu.memory_space<hbm>>
    %dma_wait3A_225 = arith.constant 0 : i32
    %dma_wait3A_226 = tpu.memref_slice %arg4[%dma_wait3A_225, %add3A_158] : memref<200x16384xf32, #tpu.memory_space<hbm>> -> memref<200x128xf32, #tpu.memory_space<hbm>>
    %dma_wait3A_227 = arith.constant 0 : i32
    %dma_wait3A_228 = arith.constant 0 : i32
    %dma_wait3A_229 = tpu.memref_slice %arg7[%dma_wait3A_218, %dma_wait3A_227, %dma_wait3A_228] : memref<2x200x128xf32, #tpu.memory_space<vmem>> -> memref<1x200x128xf32, #tpu.memory_space<vmem>>
    %dma_wait3A_230 = tpu.memref_squeeze %dma_wait3A_229 : memref<1x200x128xf32, #tpu.memory_space<vmem>> -> memref<200x128xf32, #tpu.memory_space<vmem>>
    tpu.wait_dma2 semaphore(%arg10 : memref<!tpu.dma_semaphore, #tpu.memory_space<semaphore_mem>>) src(%dma_wait3A_230 : memref<200x128xf32, #tpu.memory_space<vmem>>) dst(%dma_wait3A_226 : memref<200x128xf32, #tpu.memory_space<hbm>>)
    %dma_wait3A_231 = arith.constant 1 : i32
    %dma_wait3A_232 = arith.constant 0 : i32
    %dma_wait3A_233 = arith.constant 0 : i32
    %dma_wait3A_234 = tpu.memref_slice %arg7[%dma_wait3A_231, %dma_wait3A_232, %dma_wait3A_233] : memref<2x200x128xf32, #tpu.memory_space<vmem>> -> memref<1x200x128xf32, #tpu.memory_space<vmem>>
    %dma_wait3A_235 = tpu.memref_squeeze %dma_wait3A_234 : memref<1x200x128xf32, #tpu.memory_space<vmem>> -> memref<200x128xf32, #tpu.memory_space<vmem>>
    %dma_wait3A_236 = arith.constant 0 : i32
    %dma_wait3A_237 = tpu.memref_slice %arg4[%dma_wait3A_236, %add3A_204] : memref<200x16384xf32, #tpu.memory_space<hbm>> -> memref<200x128xf32, #tpu.memory_space<hbm>>
    %dma_wait3A_238 = arith.constant 0 : i32
    %dma_wait3A_239 = tpu.memref_slice %arg4[%dma_wait3A_238, %add3A_204] : memref<200x16384xf32, #tpu.memory_space<hbm>> -> memref<200x128xf32, #tpu.memory_space<hbm>>
    %dma_wait3A_240 = arith.constant 0 : i32
    %dma_wait3A_241 = arith.constant 0 : i32
    %dma_wait3A_242 = tpu.memref_slice %arg7[%dma_wait3A_231, %dma_wait3A_240, %dma_wait3A_241] : memref<2x200x128xf32, #tpu.memory_space<vmem>> -> memref<1x200x128xf32, #tpu.memory_space<vmem>>
    %dma_wait3A_243 = tpu.memref_squeeze %dma_wait3A_242 : memref<1x200x128xf32, #tpu.memory_space<vmem>> -> memref<200x128xf32, #tpu.memory_space<vmem>>
    tpu.wait_dma2 semaphore(%arg11 : memref<!tpu.dma_semaphore, #tpu.memory_space<semaphore_mem>>) src(%dma_wait3A_243 : memref<200x128xf32, #tpu.memory_space<vmem>>) dst(%dma_wait3A_239 : memref<200x128xf32, #tpu.memory_space<hbm>>)
    return
  }
}

</mosaic_0001>

<sc_bundles>
// kernel: kernel.3.cloned.1.call-start
scs
__scs_entry_jumppad:
0x0: {  	(pc) =	sbr.rel $0x88, $3  }
0x1: {  	(tag) =	ssettag $0x0;
	lr =	simm.s32 $0x1  }
0x2: {  	[smem:$0x3F9F] =	sst lr;
	_ =	strace $0xD0000000  }
0x3: {  	_ = 	snop  }
0x4: {  	_ = 	snop  }
0x5: {  	_ = 	snop  }
0x6: {  	_ = 	snop  }
0x7: {  	_ = 	snop  }
__scs_overlays_trampoline_lowered:
0x8: {  	[smem:$0x3FAE] =	sst s0  }
0x9: {  	[smem:$0x3FAF] =	sst s1  }
0xa: {  	[smem:$0x3FB0] =	sst s2  }
0xb: {  	[smem:$0x3FB1] =	sst s3  }
0xc: {  	[smem:$0x3FB2] =	sst s4  }
0xd: {  	[smem:$0x3FB3] =	sst s5  }
0xe: {  	[smem:$0x3FB4] =	sst s6  }
0xf: {  	[smem:$0x3FB5] =	sst s7  }
0x10: {  	[smem:$0x3FB6] =	sst s8  }
0x11: {  	[smem:$0x3FB7] =	sst s9;
	s0 =	simm.s32 @!p0 $0x0  }
0x12: {  	s1 =	sld [smem:$0x3F9D];
	s0 =	simm.s32 @p0 $0x1  }
0x13: {  	[smem:$0x3FB8] =	sst s0;
	s0 =	simm.s32 @!p1 $0x0  }
0x14: {  	s2 =	sld [smem:$0x3F9C];
	s0 =	simm.s32 @p1 $0x1  }
0x15: {  	[smem:$0x3FB9] =	sst s0;
	s0 =	simm.s32 @!p2 $0x0  }
0x16: {  	s3 =	sld [smem:$0x3FDB];
	s0 =	simm.s32 @p2 $0x1  }
0x17: {  	s4 =	simm.s32 $0x1BF5;
	[smem:$0x3FBB] =	sst s0  }
0x18: {  	s0 =	sld [smem:$0x3F9E];
	_ =	swait.ge [sflag:s4], $0x0  }
0x19: {  	s7 =	sld [smem:$0x3F9F]  }
0x1a: {  	s8 =	sadd.s32 $0xFFFFE003, lr  }
0x1b: {  	s9 =	sadd.s32 $0xFFFFFEF7, lr;
	s5 =	simm.s32 $0xFFFFFFFF;
	p2 =	slt.u32 s8, $0xFFFFF086  }
0x1c: {  	p1 =	slt.u32 s9, $0xF7A;
	s5 =	simm.s32 @!p2 $0x0  }
0x1d: {  	s5 =	simm.s32 @p1 $0x1;
	p0 =	seq.s32 s7, s2  }
0x1e: {  	s7 =	smul.u32 @!p0 $0xF7A, s2;
	p2 =	seq.s32 @!p0 s5, $0x0  }
0x1f: {  	s9 =	smul.u32 $0xF7A, s1;
	s8 =	simm.s32 @!p0 $0x1BF5;
	p2 =	por !p2, p0  }
0x20: {  	[sflag:s8] =	ssyncset.s32 @!p0 $0xFFFFF086;
	s6 =	sadd.s32 @!p0 s3, s7;
	s7 =	simm.s32 @!p0 $0x108  }
0x21: {  	s3 =	sadd.s32 s3, s9;
	s6 =	sadd.s32 @!p0 $0x88, s6;
	s7 =	simm.s32 @p2 $0x1082  }
0x22: {  	[simem:s7], [sflag:s8] =	dma.local @!p0 [hbm:s6], $0xF7A  }
0x23: {  	s9 =	sor.u32 $0xD0000000, s2;
	s6 =	simm.s32 $0x108;
	_ =	swait.ge @!p0 [sflag:s8], $0x0  }
0x24: {  	s3 =	sadd.s32 $0x88, s3;
	s6 =	simm.s32 @!p1 $0x1082;
	[sflag:s4] =	ssyncset.s32 $0xFFFFF086  }
0x25: {  	[simem:s6], [sflag:s4] =	dma.local [hbm:s3], $0xF7A  }
0x26: {  	[smem:$0x3F9F] =	sst s1;
	(tag) =	ssettag s2;
	_ =	strace s9  }
0x27: {  	s1 =	sld [smem:$0x3FAF]  }
0x28: {  	s2 =	sld [smem:$0x3FB0]  }
0x29: {  	s4 =	sld [smem:$0x3FB2]  }
0x2a: {  	p0 =	seq.s32 s5, $0x0;
	s5 =	sld [smem:$0x3FB3]  }
0x2b: {  	s6 =	sld [smem:$0x3FB4]  }
0x2c: {  	s7 =	sld [smem:$0x3FB5]  }
0x2d: {  	s3 =	simm.s32 $0x108;
	s8 =	sld [smem:$0x3FB6]  }
0x2e: {  	s3 =	simm.s32 @!p0 $0x1082;
	s9 =	sld [smem:$0x3FB7]  }
0x2f: {  	lr =	sadd.s32 s0, s3;
	s0 =	sld [smem:$0x3FAE]  }
0x30: {  	s3 =	sld [smem:$0x3FB1]  }
0x31: {  	[smem:$0x3FBA] =	sst s10  }
0x32: {  	s10 =	sld [smem:$0x3FB8];
	_ =	sdelay $0x3  }
0x33: {  	p0 =	seq.s32 s10, $0x1;
	s10 =	sld [smem:$0x3FBA];
	_ =	sdelay $0x3  }
0x34: {  	[smem:$0x3FBA] =	sst s10  }
0x35: {  	s10 =	sld [smem:$0x3FB9];
	_ =	sdelay $0x3  }
0x36: {  	p1 =	seq.s32 s10, $0x1;
	s10 =	sld [smem:$0x3FBA];
	_ =	sdelay $0x3  }
0x37: {  	[smem:$0x3FBA] =	sst s10  }
0x38: {  	s10 =	sld [smem:$0x3FBB]  }
0x39: {  	_ = 	snop;
	(pc) =	sbr.ind lr, $3  }
0x3a: {  	_ = 	snop  }
0x3b: {  	_ = 	snop  }
0x3c: {  	p2 =	seq.s32 s10, $0x1;
	s10 =	sld [smem:$0x3FBA]  }
0x3d: {  	_ =	shalt  }
0x3e: {  	_ =	shalt  }
0x3f: {  	_ =	shalt  }
0x40: {  	_ =	shalt  }
0x41: {  	_ =	shalt  }
0x42: {  	_ =	shalt  }
0x43: {  	_ =	shalt  }
0x44: {  	_ =	shalt  }
0x45: {  	_ =	shalt  }
0x46: {  	_ =	shalt  }
0x47: {  	_ =	shalt  }
0x48: {  	_ =	shalt  }
0x49: {  	_ =	shalt  }
0x4a: {  	_ =	shalt  }
0x4b: {  	_ =	shalt  }
0x4c: {  	_ =	shalt  }
0x4d: {  	_ =	shalt  }
0x4e: {  	_ =	shalt  }
0x4f: {  	_ =	shalt  }
0x50: {  	_ =	shalt  }
0x51: {  	_ =	shalt  }
0x52: {  	_ =	shalt  }
0x53: {  	_ =	shalt  }
0x54: {  	_ =	shalt  }
0x55: {  	_ =	shalt  }
0x56: {  	_ =	shalt  }
0x57: {  	_ =	shalt  }
0x58: {  	_ =	shalt  }
0x59: {  	_ =	shalt  }
0x5a: {  	_ =	shalt  }
0x5b: {  	_ =	shalt  }
0x5c: {  	_ =	shalt  }
0x5d: {  	_ =	shalt  }
0x5e: {  	_ =	shalt  }
0x5f: {  	_ =	shalt  }
0x60: {  	_ =	shalt  }
0x61: {  	_ =	shalt  }
0x62: {  	_ =	shalt  }
0x63: {  	_ =	shalt  }
0x64: {  	_ =	shalt  }
0x65: {  	_ =	shalt  }
0x66: {  	_ =	shalt  }
0x67: {  	_ =	shalt  }
0x68: {  	_ =	shalt  }
0x69: {  	_ =	shalt  }
0x6a: {  	_ =	shalt  }
0x6b: {  	_ =	shalt  }
0x6c: {  	_ =	shalt  }
0x6d: {  	_ =	shalt  }
0x6e: {  	_ =	shalt  }
0x6f: {  	_ =	shalt  }
0x70: {  	_ =	shalt  }
0x71: {  	_ =	shalt  }
0x72: {  	_ =	shalt  }
0x73: {  	_ =	shalt  }
0x74: {  	_ =	shalt  }
0x75: {  	_ =	shalt  }
0x76: {  	_ =	shalt  }
0x77: {  	_ =	shalt  }
0x78: {  	_ =	shalt  }
0x79: {  	_ =	shalt  }
0x7a: {  	_ =	shalt  }
0x7b: {  	_ =	shalt  }
0x7c: {  	_ =	shalt  }
0x7d: {  	_ =	shalt  }
0x7e: {  	_ =	shalt  }
0x7f: {  	_ =	shalt  }
0x80: {  	_ =	shalt  }
0x81: {  	_ =	shalt  }
0x82: {  	_ =	shalt  }
0x83: {  	_ =	shalt  }
0x84: {  	_ =	shalt  }
0x85: {  	_ =	shalt  }
0x86: {  	_ =	shalt  }
0x87: {  	_ =	shalt  }
.Lfunc_end0:
.L_simem_size_0:
called_computation_lowered:
.L_overlay_start_0:
0x88: {  	s2 =	sld [smem:$0x3FD9]  }
0x89: {  	s3 =	sld [smem:$0x3FFE];
	_ =	sdelay $0x1  }
0x8a: {  	s1 =	srdreg.scid  }
0x8b: {  	s0 =	sand.u32 $0x1, s1  }
0x8c: {  	s18 =	sshll.u32 s0, $0xA;
	s2 =	sadd.s32 s3, s2  }
0x8d: {  	s2 =	sadd.s32 s2, s18  }
0x8e: {  	[smem:$0x3FC6] =	sst s2  }
0x8f: {  	_ = 	snop  }
0x90: {  	s2 =	sld [smem:$0x3FC9]  }
0x91: {  	s19 =	sld [smem:$0x3FC8]  }
0x92: {  	s4 =	sld [smem:$0x3FD0];
	(tm) =	ssettm $0x1  }
0x93: {  	s5 =	sld [smem:$0x3FFB];
	_ =	sdelay $0x3  }
0x94: {  	_ =	strace s5  }
0x95: {  	s5 =	sld [smem:$0x3FFC];
	_ =	sdelay $0x3  }
0x96: {  	_ =	strace s5  }
0x97: {  	s5 =	sld [smem:$0x3FFD];
	_ =	sdelay $0x3  }
0x98: {  	_ =	strace s5  }
0x99: {  	_ =	strace $0x8FFFFFFF  }
0x9a: {  	s20 =	sld [smem:$0x3FDB];
	_ =	sdelay $0x1  }
0x9b: {  	s6 =	simm.s32 $_scs_section_size  }
0x9c: {  	s7 =	simm.s32 $_size__tile_overlayer_lowered;
	s8 =	simm.s32 $_tile_overlayer_lowered  }
0x9d: {  	s23 =	simm.s32 $0x1BFF;
	s22 =	sshll.u32 s8, $0x1;
	s5 =	sadd.s32 s6, s20  }
0x9e: {  	s9 =	simm.s32 $0x0;
	s21 =	sshll.u32 s7, $0x1;
	s7 =	sadd.s32 s22, s5  }
0x9f: {  	[timem:s9], [sflag:s23] =	dma.local [hbm:s7], s21  }
0xa0: {  	_ =	swait.ge [sflag:s23], s21  }
0xa1: {  	s6 =	ssub.s32 $0x0, s21;
	[sflag:s23] =	ssyncset.done $0x0  }
0xa2: {  	[sflag:s23] =	ssyncadd.s32 s6;
	_ =	sdelay $0x1  }
0xa3: {  	s24 =	simm.s32 $0x1B8B  }
0xa4: {  	_ =	swait.ge [sflag:s24], $0x1  }
0xa5: {  	[sflag:s24] =	ssyncset.done $0x0  }
0xa6: {  	s25 =	simm.s32 $0x1B8E;
	[sflag:s24] =	ssyncadd.s32 $0xFFFFFFFF  }
0xa7: {  	s26 =	simm.s32 $execute0_lowered;
	[smem:$0x3FD2] =	sst s25  }
0xa8: {  	s6 =	sshll.u32 s26, $0x1;
	_ =	strace $0x80000046;
	[dreg:$0x1] =	wrdreg $0xFFFFFFFF  }
0xa9: {  	s28 =	simm.s32 $_size_execute0_lowered;
	s5 =	sadd.s32 s5, s6;
	[dreg:$0x0] =	wrdreg $0x0  }
0xaa: {  	s6 =	sshll.u32 s28, $0x1;
	[dreg:$0x2] =	wrdreg s5  }
0xab: {  	[dreg:$0x3] =	wrdreg s6  }
0xac: {  	[dreg:$0x4] =	wrdreg $0xC0  }
0xad: {  	_ =	task [dreg:s9], $0x5FFFF  }
0xae: {  	[dreg:$0x1] =	wrdreg $0xFFFFFFFF  }
0xaf: {  	[dreg:$0x0] =	wrdreg $0x60  }
0xb0: {  	[dreg:$0x2] =	wrdreg s19  }
0xb1: {  	[dreg:$0x3] =	wrdreg s2  }
0xb2: {  	[dreg:$0x4] =	wrdreg s4  }
0xb3: {  	[dreg:$0x5] =	wrdreg $0x9  }
0xb4: {  	_ =	task.clear_ibuf [dreg:s9], $0x6FFFF;
	_ =	strace $0x90000046  }
0xb5: {  	s29 =	simm.s32 $0x9;
	_ =	strace $0x80000048  }
0xb6: {  	_ =	swait.ge [sflag:s29], $0x1  }
0xb7: {  	[sflag:s29] =	ssyncadd.s32 $0xFFFFFFFF  }
0xb8: {  	_ =	strace $0x90000048  }
0xb9: {  	_ =	sfence  }
0xba: {  	s30 =	sld [smem:$0x0];
	_ =	sdelay $0x2  }
0xbb: {  	s31 =	sshll.u32 s1, $0xD;
	s1 =	sshrl.u32 s1, $0x2  }
0xbc: {  	s3 =	sand.u32 $0x4000, s31;
	s1 =	sadd.s32 s1, s30  }
0xbd: {  	s0 =	sor.u32 s3, s0;
	s1 =	sshll.u32 s1, $0x11  }
0xbe: {  	s0 =	sor.u32 s1, s0  }
0xbf: {  	s0 =	sadd.s32 $0x8F2B, s0  }
0xc0: {  	[sflag:s0] =	ssyncadd.remote.s32 $0x1  }
0xc1: {  	_ =	sfence.sel $0xFFFF  }
0xc2: {  	[dreg:$0x0] =	wrdreg $0xFFFFFFFF;
	(pc) =	sbr.abs _section_cstart, $3  }
0xc3: {  	[dreg:$0x1] =	wrdreg $0xFFFFFFFF  }
0xc4: {  	_ =	task.clear_ibuf [dreg:s9], $0x2FFFF;
	_ =	strace $0x9FFFFFFF  }
0xc5: {  	(tm) =	ssettm $0x7FFFFFFF  }
tec
execute0_lowered:
.L_overlay_start_1:
0x0: {  	(tag) =	ssettag $0x1  }
0x1: {  	s1 =	rddreg [dreg:$0x0]  }
0x2: {  	s9 =	rddreg [dreg:$0x1]  }
0x3: {  	s11 =	rddreg [dreg:$0x2]  }
0x4: {  	s0 =	rddreg [dreg:$0x3];
	s3 =	simm.s32 $0x0;
	s4 =	srdreg.scid  }
0x5: {  	s2 =	stileid.u32;
	s15 =	simm.s32 $0x5;
	s16 =	simm.s32 $0x6800  }
0x6: {  	s17 =	simm.s32 $0x1;
	s18 =	simm.s32 $0xCC00;
	s19 =	simm.s32 $0x2  }
0x7: {  	s20 =	simm.s32 $0x13000;
	s21 =	simm.s32 $0x3;
	s22 =	simm.s32 $0x4  }
0x8: {  	s23 =	simm.s32 $0x0;
	[smem:$0x7FF] =	sst s3;
	s4 =	sand.u32 $0x1, s4  }
0x9: {  	s6 =	sshll.u32 s2, $0xA;
	s5 =	ssub.s32 $0x2, s4;
	s4 =	sshll.u32 s4, $0x9  }
0xa: {  	_ =	strace $0x80000047;
	s7 =	sshrl.u32 s5, $0x1;
	s10 =	sor.u32 s4, s6  }
0xb: {  	s12 =	ssub.s32 s5, s7;
	s4 =	sadd.s32 s9, s10;
	s8 =	sor.u32 $0x80, s10  }
0xc: {  	s6 =	sadd.s32 s11, s10;
	s13 =	sor.u32 $0x100, s10;
	s14 =	sor.u32 $0x180, s10  }
0xd: {  	s5 =	sadd.s32 s9, s8;
	s7 =	sadd.s32 s9, s13;
	s8 =	sadd.s32 s11, s8  }
0xe: {  	s9 =	sadd.s32 s9, s14;
	s10 =	sadd.s32 s11, s13;
	s11 =	sadd.s32 s11, s14  }
0xf: {  	s12 =	smax.u32 s12, $0x1;
	s13 =	simm.s32 $0x20000;
	s14 =	simm.s32 $0x400  }
.LBB2_1:
0x10: {  	[tilespmem:s14], [sflag:$0x1] =	stream.strided.gather [hbm4b:s4+s14], $0x6400, s13, s14, $0x38;
	[tilespmem:$0x19400] =	vst v63  }
0x11: {  	_ = 	snop  }
0x12: {  	[tilespmem:s3], [sflag:$0x5] =	stream.linear.gather [hbm4b:s1+s3], $0x3E8, $0x38;
	[tilespmem:$0x19400] =	vst v63  }
0x13: {  	_ =	swait.ge [sflag:s15], $0x3E8  }
0x14: {  	[sflag:s15] =	ssyncset.done $0x0  }
0x15: {  	[sflag:s15] =	ssyncadd.s32 $0xFFFFFC18  }
0x16: {  	[tilespmem:s16], [sflag:$0x2] =	stream.strided.gather [hbm4b:s5+s14], $0x6400, s13, s14, $0x38;
	[tilespmem:$0x19400] =	vst v63  }
0x17: {  	_ =	swait.ge [sflag:s17], $0x6400  }
0x18: {  	[sflag:s17] =	ssyncset.done $0x0  }
0x19: {  	s24 =	simm.s32 $0x0;
	[sflag:s17] =	ssyncadd.s32 $0xFFFF9C00  }
0x1a: {  	v0 =	vld [tilespmem:s24+$0x400];
	_ =	sdelay $0x6  }
0x1b: {  	v1 =	vld [tilespmem:s24+$0x410]  }
0x1c: {  	v0 =	vld.idx.msk [tilespmem:v0+s3+$0x0], $0xffff;
	_ =	sdelay $0x1  }
0x1d: {  	s25 =	simm.s32 $0x80  }
0x1e: {  	v2 =	vld [tilespmem:s25+$0x400];
	_ =	sdelay $0x1  }
0x1f: {  	[tilespmem:s24+$0xCC00] =	vst v0;
	v0 =	vld [tilespmem:s24+$0x420];
	_ =	sdelay $0x1  }
0x20: {  	v1 =	vld.idx.msk [tilespmem:v1+s3+$0x0], $0xffff;
	_ =	sdelay $0x2  }
0x21: {  	v3 =	vld [tilespmem:s25+$0x410]  }
0x22: {  	v2 =	vld.idx.msk [tilespmem:v2+s3+$0x0], $0xffff  }
0x23: {  	[tilespmem:s24+$0xCC10] =	vst v1;
	v1 =	vld [tilespmem:s24+$0x430]  }
0x24: {  	v0 =	vld.idx.msk [tilespmem:v0+s3+$0x0], $0xffff;
	_ =	sdelay $0x3  }
0x25: {  	[tilespmem:s25+$0xCC00] =	vst v2;
	v2 =	vld [tilespmem:s25+$0x420]  }
0x26: {  	[tilespmem:s24+$0xCC20] =	vst v0;
	v0 =	vld [tilespmem:s24+$0x440]  }
0x27: {  	v3 =	vld.idx.msk [tilespmem:v3+s3+$0x0], $0xffff  }
0x28: {  	s26 =	simm.s32 $0x100;
	v1 =	vld.idx.msk [tilespmem:v1+s3+$0x0], $0xffff  }
0x29: {  	v4 =	vld [tilespmem:s26+$0x400];
	_ =	sdelay $0x2  }
0x2a: {  	[tilespmem:s25+$0xCC10] =	vst v3;
	v3 =	vld [tilespmem:s25+$0x430]  }
0x2b: {  	[tilespmem:s24+$0xCC30] =	vst v1;
	v1 =	vld [tilespmem:s24+$0x450]  }
0x2c: {  	v0 =	vld.idx.msk [tilespmem:v0+s3+$0x0], $0xffff  }
0x2d: {  	v2 =	vld.idx.msk [tilespmem:v2+s3+$0x0], $0xffff  }
0x2e: {  	v5 =	vld [tilespmem:s26+$0x410]  }
0x2f: {  	v4 =	vld.idx.msk [tilespmem:v4+s3+$0x0], $0xffff;
	_ =	sdelay $0x1  }
0x30: {  	[tilespmem:s24+$0xCC40] =	vst v0;
	v0 =	vld [tilespmem:s24+$0x460]  }
0x31: {  	[tilespmem:s25+$0xCC20] =	vst v2;
	v2 =	vld [tilespmem:s25+$0x440]  }
0x32: {  	v1 =	vld.idx.msk [tilespmem:v1+s3+$0x0], $0xffff  }
0x33: {  	[tilespmem:s26+$0xCC00] =	vst v4;
	v4 =	vld [tilespmem:s26+$0x420]  }
0x34: {  	v3 =	vld.idx.msk [tilespmem:v3+s3+$0x0], $0xffff  }
0x35: {  	s28 =	simm.s32 $0x180;
	s29 =	simm.s32 $0x800;
	v5 =	vld.idx.msk [tilespmem:v5+s3+$0x0], $0xffff  }
.LBB2_2:
0x36: {  	p0 =	sne.s32 s29, $0x18E00;
	v6 =	vld [tilespmem:s28+$0x400];
	s30 =	smov.u32 s25;
	s25 =	smov.u32 s26  }
0x37: {  	s26 =	smov.u32 s28;
	[tilespmem:s24+$0xCC50] =	vst v1;
	v1 =	vld [tilespmem:s24+$0x470]  }
0x38: {  	v0 =	vld.idx.msk [tilespmem:v0+s3+$0x0], $0xffff  }
0x39: {  	[tilespmem:s30+$0xCC30] =	vst v3;
	v3 =	vld [tilespmem:s30+$0x450]  }
0x3a: {  	v2 =	vld.idx.msk [tilespmem:v2+s3+$0x0], $0xffff  }
0x3b: {  	[tilespmem:s25+$0xCC10] =	vst v5;
	v5 =	vld [tilespmem:s25+$0x430]  }
0x3c: {  	v4 =	vld.idx.msk [tilespmem:v4+s3+$0x0], $0xffff  }
0x3d: {  	v7 =	vld [tilespmem:s26+$0x410]  }
0x3e: {  	v6 =	vld.idx.msk [tilespmem:v6+s3+$0x0], $0xffff;
	[tilespmem:s24+$0xCC60] =	vst v0  }
0x3f: {  	v8 =	vld.idx.msk [tilespmem:v1+s3+$0x0], $0xffff  }
0x40: {  	[tilespmem:s30+$0xCC40] =	vst v2;
	v0 =	vld [tilespmem:s30+$0x460]  }
.Ltmp0:
0x41: {  	v1 =	vld.idx.msk [tilespmem:v3+s3+$0x0], $0xffff;
	(pc) =	sbr.rel @p0 .LBB2_2-.Ltmp0, $4  }
0x42: {  	[tilespmem:s25+$0xCC20] =	vst v4;
	v2 =	vld [tilespmem:s25+$0x440]  }
0x43: {  	v3 =	vld.idx.msk [tilespmem:v5+s3+$0x0], $0xffff  }
0x44: {  	[tilespmem:s26+$0xCC00] =	vst v6;
	v4 =	vld [tilespmem:s26+$0x420]  }
0x45: {  	s28 =	sshra.s32 s29, $0x2;
	s29 =	sadd.s32 $0x200, s29;
	v5 =	vld.idx.msk [tilespmem:v7+s3+$0x0], $0xffff;
	[tilespmem:s24+$0xCC70] =	vst v8;
	s24 =	smov.u32 s30  }
0x46: {  	v6 =	vld [tilespmem:s28+$0x400];
	_ =	sdelay $0x5  }
0x47: {  	v7 =	vld [tilespmem:s28+$0x410];
	_ =	sdelay $0x1  }
0x48: {  	v6 =	vld.idx.msk [tilespmem:v6+s3+$0x0], $0xffff;
	_ =	sdelay $0x4  }
0x49: {  	[tilespmem:s28+$0xCC00] =	vst v6;
	v6 =	vld [tilespmem:s28+$0x420]  }
0x4a: {  	v7 =	vld.idx.msk [tilespmem:v7+s3+$0x0], $0xffff;
	_ =	sdelay $0x1  }
0x4b: {  	[tilespmem:s26+$0xCC10] =	vst v5;
	v5 =	vld [tilespmem:s26+$0x430]  }
0x4c: {  	v4 =	vld.idx.msk [tilespmem:v4+s3+$0x0], $0xffff;
	_ =	sdelay $0x1  }
0x4d: {  	[tilespmem:s28+$0xCC10] =	vst v7;
	v7 =	vld [tilespmem:s28+$0x430];
	_ =	sdelay $0x1  }
0x4e: {  	v6 =	vld.idx.msk [tilespmem:v6+s3+$0x0], $0xffff  }
0x4f: {  	[tilespmem:s26+$0xCC20] =	vst v4;
	v4 =	vld [tilespmem:s26+$0x440]  }
0x50: {  	[tilespmem:s25+$0xCC30] =	vst v3;
	v3 =	vld [tilespmem:s25+$0x450]  }
0x51: {  	v5 =	vld.idx.msk [tilespmem:v5+s3+$0x0], $0xffff  }
0x52: {  	v2 =	vld.idx.msk [tilespmem:v2+s3+$0x0], $0xffff  }
0x53: {  	[tilespmem:s28+$0xCC20] =	vst v6;
	v6 =	vld [tilespmem:s28+$0x440]  }
0x54: {  	v7 =	vld.idx.msk [tilespmem:v7+s3+$0x0], $0xffff;
	_ =	sdelay $0x1  }
0x55: {  	[tilespmem:s26+$0xCC30] =	vst v5;
	v5 =	vld [tilespmem:s26+$0x450]  }
0x56: {  	v4 =	vld.idx.msk [tilespmem:v4+s3+$0x0], $0xffff  }
0x57: {  	[tilespmem:s25+$0xCC40] =	vst v2;
	v2 =	vld [tilespmem:s25+$0x460]  }
0x58: {  	[tilespmem:s28+$0xCC30] =	vst v7;
	v7 =	vld [tilespmem:s28+$0x450]  }
0x59: {  	v3 =	vld.idx.msk [tilespmem:v3+s3+$0x0], $0xffff  }
0x5a: {  	v6 =	vld.idx.msk [tilespmem:v6+s3+$0x0], $0xffff  }
0x5b: {  	[tilespmem:s26+$0xCC40] =	vst v4;
	v4 =	vld [tilespmem:s26+$0x460];
	_ =	sdelay $0x1  }
0x5c: {  	v5 =	vld.idx.msk [tilespmem:v5+s3+$0x0], $0xffff  }
0x5d: {  	[tilespmem:s25+$0xCC50] =	vst v3;
	v3 =	vld [tilespmem:s25+$0x470]  }
0x5e: {  	[tilespmem:s28+$0xCC40] =	vst v6;
	v6 =	vld [tilespmem:s28+$0x460]  }
0x5f: {  	[tilespmem:s24+$0xCC50] =	vst v1;
	v1 =	vld.idx.msk [tilespmem:v7+s3+$0x0], $0xffff  }
0x60: {  	v2 =	vld.idx.msk [tilespmem:v2+s3+$0x0], $0xffff  }
0x61: {  	[tilespmem:s26+$0xCC50] =	vst v5;
	v5 =	vld [tilespmem:s26+$0x470]  }
0x62: {  	v4 =	vld.idx.msk [tilespmem:v4+s3+$0x0], $0xffff  }
0x63: {  	v7 =	vld [tilespmem:s24+$0x470]  }
0x64: {  	[tilespmem:s28+$0xCC50] =	vst v1;
	v1 =	vld [tilespmem:s28+$0x470]  }
0x65: {  	v0 =	vld.idx.msk [tilespmem:v0+s3+$0x0], $0xffff  }
0x66: {  	v6 =	vld.idx.msk [tilespmem:v6+s3+$0x0], $0xffff;
	_ =	sdelay $0x1  }
0x67: {  	[tilespmem:s25+$0xCC60] =	vst v2  }
0x68: {  	v2 =	vld.idx.msk [tilespmem:v3+s3+$0x0], $0xffff;
	[tilespmem:s26+$0xCC60] =	vst v4  }
0x69: {  	[tilespmem:s24+$0xCC60] =	vst v0;
	v3 =	vld.idx.msk [tilespmem:v5+s3+$0x0], $0xffff  }
0x6a: {  	v0 =	vld.idx.msk [tilespmem:v7+s3+$0x0], $0xffff;
	[tilespmem:s28+$0xCC60] =	vst v6  }
0x6b: {  	v1 =	vld.idx.msk [tilespmem:v1+s3+$0x0], $0xffff;
	_ =	sdelay $0x1  }
0x6c: {  	[tilespmem:s25+$0xCC70] =	vst v2  }
0x6d: {  	[tilespmem:s26+$0xCC70] =	vst v3  }
0x6e: {  	[tilespmem:s24+$0xCC70] =	vst v0  }
0x6f: {  	[tilespmem:s28+$0xCC70] =	vst v1  }
0x70: {  	[hbm4b:s6+s14] =	stream.strided.scatter [tilespmem:s18], [sflag:$0x3], $0x6400, s13, s14, $0x38;
	[tilespmem:$0x19400] =	vst v63  }
0x71: {  	_ = 	snop  }
0x72: {  	[tilespmem:s14], [sflag:$0x1] =	stream.strided.gather [hbm4b:s7+s14], $0x6400, s13, s14, $0x38;
	[tilespmem:$0x19400] =	vst v63  }
0x73: {  	_ =	swait.ge [sflag:s19], $0x6400  }
0x74: {  	[sflag:s19] =	ssyncset.done $0x0  }
0x75: {  	s24 =	simm.s32 $0x0;
	[sflag:s19] =	ssyncadd.s32 $0xFFFF9C00  }
0x76: {  	v0 =	vld [tilespmem:s24+$0x6800];
	_ =	sdelay $0x6  }
0x77: {  	v1 =	vld [tilespmem:s24+$0x6810]  }
0x78: {  	v0 =	vld.idx.msk [tilespmem:v0+s3+$0x0], $0xffff;
	_ =	sdelay $0x1  }
0x79: {  	s25 =	simm.s32 $0x80  }
0x7a: {  	v2 =	vld [tilespmem:s25+$0x6800];
	_ =	sdelay $0x1  }
0x7b: {  	[tilespmem:s24+$0x13000] =	vst v0;
	v0 =	vld [tilespmem:s24+$0x6820];
	_ =	sdelay $0x1  }
0x7c: {  	v1 =	vld.idx.msk [tilespmem:v1+s3+$0x0], $0xffff;
	_ =	sdelay $0x2  }
0x7d: {  	v3 =	vld [tilespmem:s25+$0x6810]  }
0x7e: {  	v2 =	vld.idx.msk [tilespmem:v2+s3+$0x0], $0xffff  }
0x7f: {  	[tilespmem:s24+$0x13010] =	vst v1;
	v1 =	vld [tilespmem:s24+$0x6830]  }
0x80: {  	v0 =	vld.idx.msk [tilespmem:v0+s3+$0x0], $0xffff;
	_ =	sdelay $0x3  }
0x81: {  	[tilespmem:s25+$0x13000] =	vst v2;
	v2 =	vld [tilespmem:s25+$0x6820]  }
0x82: {  	[tilespmem:s24+$0x13020] =	vst v0;
	v0 =	vld [tilespmem:s24+$0x6840]  }
0x83: {  	v3 =	vld.idx.msk [tilespmem:v3+s3+$0x0], $0xffff  }
0x84: {  	s26 =	simm.s32 $0x100;
	v1 =	vld.idx.msk [tilespmem:v1+s3+$0x0], $0xffff  }
0x85: {  	v4 =	vld [tilespmem:s26+$0x6800];
	_ =	sdelay $0x2  }
0x86: {  	[tilespmem:s25+$0x13010] =	vst v3;
	v3 =	vld [tilespmem:s25+$0x6830]  }
0x87: {  	[tilespmem:s24+$0x13030] =	vst v1;
	v1 =	vld [tilespmem:s24+$0x6850]  }
0x88: {  	v0 =	vld.idx.msk [tilespmem:v0+s3+$0x0], $0xffff  }
0x89: {  	v2 =	vld.idx.msk [tilespmem:v2+s3+$0x0], $0xffff  }
0x8a: {  	v5 =	vld [tilespmem:s26+$0x6810]  }
0x8b: {  	v4 =	vld.idx.msk [tilespmem:v4+s3+$0x0], $0xffff;
	_ =	sdelay $0x1  }
0x8c: {  	[tilespmem:s24+$0x13040] =	vst v0;
	v0 =	vld [tilespmem:s24+$0x6860]  }
0x8d: {  	[tilespmem:s25+$0x13020] =	vst v2;
	v2 =	vld [tilespmem:s25+$0x6840]  }
0x8e: {  	v1 =	vld.idx.msk [tilespmem:v1+s3+$0x0], $0xffff  }
0x8f: {  	[tilespmem:s26+$0x13000] =	vst v4;
	v4 =	vld [tilespmem:s26+$0x6820]  }
0x90: {  	v3 =	vld.idx.msk [tilespmem:v3+s3+$0x0], $0xffff  }
0x91: {  	s29 =	simm.s32 $0x800;
	s28 =	simm.s32 $0x180;
	v5 =	vld.idx.msk [tilespmem:v5+s3+$0x0], $0xffff  }
.LBB2_4:
0x92: {  	p0 =	sne.s32 s29, $0x18E00;
	v6 =	vld [tilespmem:s28+$0x6800];
	s30 =	smov.u32 s25;
	s25 =	smov.u32 s26  }
0x93: {  	s26 =	smov.u32 s28;
	[tilespmem:s24+$0x13050] =	vst v1;
	v1 =	vld [tilespmem:s24+$0x6870]  }
0x94: {  	v0 =	vld.idx.msk [tilespmem:v0+s3+$0x0], $0xffff  }
0x95: {  	[tilespmem:s30+$0x13030] =	vst v3;
	v3 =	vld [tilespmem:s30+$0x6850]  }
0x96: {  	v2 =	vld.idx.msk [tilespmem:v2+s3+$0x0], $0xffff  }
0x97: {  	[tilespmem:s25+$0x13010] =	vst v5;
	v5 =	vld [tilespmem:s25+$0x6830]  }
0x98: {  	v4 =	vld.idx.msk [tilespmem:v4+s3+$0x0], $0xffff  }
0x99: {  	v7 =	vld [tilespmem:s26+$0x6810]  }
0x9a: {  	v6 =	vld.idx.msk [tilespmem:v6+s3+$0x0], $0xffff;
	[tilespmem:s24+$0x13060] =	vst v0  }
0x9b: {  	v8 =	vld.idx.msk [tilespmem:v1+s3+$0x0], $0xffff  }
0x9c: {  	[tilespmem:s30+$0x13040] =	vst v2;
	v0 =	vld [tilespmem:s30+$0x6860]  }
.Ltmp1:
0x9d: {  	v1 =	vld.idx.msk [tilespmem:v3+s3+$0x0], $0xffff;
	(pc) =	sbr.rel @p0 .LBB2_4-.Ltmp1, $4  }
0x9e: {  	[tilespmem:s25+$0x13020] =	vst v4;
	v2 =	vld [tilespmem:s25+$0x6840]  }
0x9f: {  	v3 =	vld.idx.msk [tilespmem:v5+s3+$0x0], $0xffff  }
0xa0: {  	[tilespmem:s26+$0x13000] =	vst v6;
	v4 =	vld [tilespmem:s26+$0x6820]  }
0xa1: {  	s28 =	sshra.s32 s29, $0x2;
	s29 =	sadd.s32 $0x200, s29;
	v5 =	vld.idx.msk [tilespmem:v7+s3+$0x0], $0xffff;
	[tilespmem:s24+$0x13070] =	vst v8;
	s24 =	smov.u32 s30  }
0xa2: {  	v6 =	vld [tilespmem:s28+$0x6800];
	_ =	sdelay $0x5  }
0xa3: {  	v7 =	vld [tilespmem:s28+$0x6810];
	_ =	sdelay $0x1  }
0xa4: {  	v6 =	vld.idx.msk [tilespmem:v6+s3+$0x0], $0xffff;
	_ =	sdelay $0x4  }
0xa5: {  	[tilespmem:s28+$0x13000] =	vst v6;
	v6 =	vld [tilespmem:s28+$0x6820]  }
0xa6: {  	v7 =	vld.idx.msk [tilespmem:v7+s3+$0x0], $0xffff;
	_ =	sdelay $0x1  }
0xa7: {  	[tilespmem:s26+$0x13010] =	vst v5;
	v5 =	vld [tilespmem:s26+$0x6830]  }
0xa8: {  	v4 =	vld.idx.msk [tilespmem:v4+s3+$0x0], $0xffff;
	_ =	sdelay $0x1  }
0xa9: {  	[tilespmem:s28+$0x13010] =	vst v7;
	v7 =	vld [tilespmem:s28+$0x6830];
	_ =	sdelay $0x1  }
0xaa: {  	v6 =	vld.idx.msk [tilespmem:v6+s3+$0x0], $0xffff  }
0xab: {  	[tilespmem:s26+$0x13020] =	vst v4;
	v4 =	vld [tilespmem:s26+$0x6840]  }
0xac: {  	[tilespmem:s25+$0x13030] =	vst v3;
	v3 =	vld [tilespmem:s25+$0x6850]  }
0xad: {  	v5 =	vld.idx.msk [tilespmem:v5+s3+$0x0], $0xffff  }
0xae: {  	v2 =	vld.idx.msk [tilespmem:v2+s3+$0x0], $0xffff  }
0xaf: {  	[tilespmem:s28+$0x13020] =	vst v6;
	v6 =	vld [tilespmem:s28+$0x6840]  }
0xb0: {  	v7 =	vld.idx.msk [tilespmem:v7+s3+$0x0], $0xffff;
	_ =	sdelay $0x1  }
0xb1: {  	[tilespmem:s26+$0x13030] =	vst v5;
	v5 =	vld [tilespmem:s26+$0x6850]  }
0xb2: {  	v4 =	vld.idx.msk [tilespmem:v4+s3+$0x0], $0xffff  }
0xb3: {  	[tilespmem:s25+$0x13040] =	vst v2;
	v2 =	vld [tilespmem:s25+$0x6860]  }
0xb4: {  	[tilespmem:s28+$0x13030] =	vst v7;
	v7 =	vld [tilespmem:s28+$0x6850]  }
0xb5: {  	v3 =	vld.idx.msk [tilespmem:v3+s3+$0x0], $0xffff  }
0xb6: {  	v6 =	vld.idx.msk [tilespmem:v6+s3+$0x0], $0xffff  }
0xb7: {  	[tilespmem:s26+$0x13040] =	vst v4;
	v4 =	vld [tilespmem:s26+$0x6860];
	_ =	sdelay $0x1  }
0xb8: {  	v5 =	vld.idx.msk [tilespmem:v5+s3+$0x0], $0xffff  }
0xb9: {  	[tilespmem:s25+$0x13050] =	vst v3;
	v3 =	vld [tilespmem:s25+$0x6870]  }
0xba: {  	[tilespmem:s28+$0x13040] =	vst v6;
	v6 =	vld [tilespmem:s28+$0x6860]  }
0xbb: {  	[tilespmem:s24+$0x13050] =	vst v1;
	v1 =	vld.idx.msk [tilespmem:v7+s3+$0x0], $0xffff  }
0xbc: {  	v2 =	vld.idx.msk [tilespmem:v2+s3+$0x0], $0xffff  }
0xbd: {  	[tilespmem:s26+$0x13050] =	vst v5;
	v5 =	vld [tilespmem:s26+$0x6870]  }
0xbe: {  	v4 =	vld.idx.msk [tilespmem:v4+s3+$0x0], $0xffff  }
0xbf: {  	v7 =	vld [tilespmem:s24+$0x6870]  }
0xc0: {  	[tilespmem:s28+$0x13050] =	vst v1;
	v1 =	vld [tilespmem:s28+$0x6870]  }
0xc1: {  	v0 =	vld.idx.msk [tilespmem:v0+s3+$0x0], $0xffff  }
0xc2: {  	v6 =	vld.idx.msk [tilespmem:v6+s3+$0x0], $0xffff;
	_ =	sdelay $0x1  }
0xc3: {  	[tilespmem:s25+$0x13060] =	vst v2  }
0xc4: {  	v2 =	vld.idx.msk [tilespmem:v3+s3+$0x0], $0xffff;
	[tilespmem:s26+$0x13060] =	vst v4  }
0xc5: {  	[tilespmem:s24+$0x13060] =	vst v0;
	v3 =	vld.idx.msk [tilespmem:v5+s3+$0x0], $0xffff  }
0xc6: {  	v0 =	vld.idx.msk [tilespmem:v7+s3+$0x0], $0xffff;
	[tilespmem:s28+$0x13060] =	vst v6  }
0xc7: {  	v1 =	vld.idx.msk [tilespmem:v1+s3+$0x0], $0xffff;
	_ =	sdelay $0x1  }
0xc8: {  	[tilespmem:s25+$0x13070] =	vst v2  }
0xc9: {  	[tilespmem:s26+$0x13070] =	vst v3  }
0xca: {  	[tilespmem:s24+$0x13070] =	vst v0  }
0xcb: {  	[tilespmem:s28+$0x13070] =	vst v1  }
0xcc: {  	[hbm4b:s8+s14] =	stream.strided.scatter [tilespmem:s20], [sflag:$0x4], $0x6400, s13, s14, $0x38;
	[tilespmem:$0x19400] =	vst v63  }
0xcd: {  	_ = 	snop  }
0xce: {  	[tilespmem:s16], [sflag:$0x2] =	stream.strided.gather [hbm4b:s9+s14], $0x6400, s13, s14, $0x38;
	[tilespmem:$0x19400] =	vst v63  }
0xcf: {  	_ =	swait.ge [sflag:s17], $0x6400  }
0xd0: {  	[sflag:s17] =	ssyncset.done $0x0  }
0xd1: {  	[sflag:s17] =	ssyncadd.s32 $0xFFFF9C00  }
0xd2: {  	_ =	swait.ge [sflag:s21], $0x6400  }
0xd3: {  	[sflag:s21] =	ssyncset.done $0x0  }
0xd4: {  	s24 =	simm.s32 $0x0;
	[sflag:s21] =	ssyncadd.s32 $0xFFFF9C00  }
0xd5: {  	v0 =	vld [tilespmem:s24+$0x400];
	_ =	sdelay $0x6  }
0xd6: {  	v1 =	vld [tilespmem:s24+$0x410]  }
0xd7: {  	v0 =	vld.idx.msk [tilespmem:v0+s3+$0x0], $0xffff;
	_ =	sdelay $0x1  }
0xd8: {  	s25 =	simm.s32 $0x80  }
0xd9: {  	v2 =	vld [tilespmem:s25+$0x400];
	_ =	sdelay $0x1  }
0xda: {  	[tilespmem:s24+$0xCC00] =	vst v0;
	v0 =	vld [tilespmem:s24+$0x420];
	_ =	sdelay $0x1  }
0xdb: {  	v1 =	vld.idx.msk [tilespmem:v1+s3+$0x0], $0xffff;
	_ =	sdelay $0x2  }
0xdc: {  	v3 =	vld [tilespmem:s25+$0x410]  }
0xdd: {  	v2 =	vld.idx.msk [tilespmem:v2+s3+$0x0], $0xffff  }
0xde: {  	[tilespmem:s24+$0xCC10] =	vst v1;
	v1 =	vld [tilespmem:s24+$0x430]  }
0xdf: {  	v0 =	vld.idx.msk [tilespmem:v0+s3+$0x0], $0xffff;
	_ =	sdelay $0x3  }
0xe0: {  	[tilespmem:s25+$0xCC00] =	vst v2;
	v2 =	vld [tilespmem:s25+$0x420]  }
0xe1: {  	[tilespmem:s24+$0xCC20] =	vst v0;
	v0 =	vld [tilespmem:s24+$0x440]  }
0xe2: {  	v3 =	vld.idx.msk [tilespmem:v3+s3+$0x0], $0xffff  }
0xe3: {  	s26 =	simm.s32 $0x100;
	v1 =	vld.idx.msk [tilespmem:v1+s3+$0x0], $0xffff  }
0xe4: {  	v4 =	vld [tilespmem:s26+$0x400];
	_ =	sdelay $0x2  }
0xe5: {  	[tilespmem:s25+$0xCC10] =	vst v3;
	v3 =	vld [tilespmem:s25+$0x430]  }
0xe6: {  	[tilespmem:s24+$0xCC30] =	vst v1;
	v1 =	vld [tilespmem:s24+$0x450]  }
0xe7: {  	v0 =	vld.idx.msk [tilespmem:v0+s3+$0x0], $0xffff  }
0xe8: {  	v2 =	vld.idx.msk [tilespmem:v2+s3+$0x0], $0xffff  }
0xe9: {  	v5 =	vld [tilespmem:s26+$0x410]  }
0xea: {  	v4 =	vld.idx.msk [tilespmem:v4+s3+$0x0], $0xffff;
	_ =	sdelay $0x1  }
0xeb: {  	[tilespmem:s24+$0xCC40] =	vst v0;
	v0 =	vld [tilespmem:s24+$0x460]  }
0xec: {  	[tilespmem:s25+$0xCC20] =	vst v2;
	v2 =	vld [tilespmem:s25+$0x440]  }
0xed: {  	v1 =	vld.idx.msk [tilespmem:v1+s3+$0x0], $0xffff  }
0xee: {  	[tilespmem:s26+$0xCC00] =	vst v4;
	v4 =	vld [tilespmem:s26+$0x420]  }
0xef: {  	v3 =	vld.idx.msk [tilespmem:v3+s3+$0x0], $0xffff  }
0xf0: {  	s29 =	simm.s32 $0x800;
	s28 =	simm.s32 $0x180;
	v5 =	vld.idx.msk [tilespmem:v5+s3+$0x0], $0xffff  }
.LBB2_6:
0xf1: {  	p0 =	sne.s32 s29, $0x18E00;
	v6 =	vld [tilespmem:s28+$0x400];
	s30 =	smov.u32 s25;
	s25 =	smov.u32 s26  }
0xf2: {  	s26 =	smov.u32 s28;
	[tilespmem:s24+$0xCC50] =	vst v1;
	v1 =	vld [tilespmem:s24+$0x470]  }
0xf3: {  	v0 =	vld.idx.msk [tilespmem:v0+s3+$0x0], $0xffff  }
0xf4: {  	[tilespmem:s30+$0xCC30] =	vst v3;
	v3 =	vld [tilespmem:s30+$0x450]  }
0xf5: {  	v2 =	vld.idx.msk [tilespmem:v2+s3+$0x0], $0xffff  }
0xf6: {  	[tilespmem:s25+$0xCC10] =	vst v5;
	v5 =	vld [tilespmem:s25+$0x430]  }
0xf7: {  	v4 =	vld.idx.msk [tilespmem:v4+s3+$0x0], $0xffff  }
0xf8: {  	v7 =	vld [tilespmem:s26+$0x410]  }
0xf9: {  	v6 =	vld.idx.msk [tilespmem:v6+s3+$0x0], $0xffff;
	[tilespmem:s24+$0xCC60] =	vst v0  }
0xfa: {  	v8 =	vld.idx.msk [tilespmem:v1+s3+$0x0], $0xffff  }
0xfb: {  	[tilespmem:s30+$0xCC40] =	vst v2;
	v0 =	vld [tilespmem:s30+$0x460]  }
.Ltmp2:
0xfc: {  	v1 =	vld.idx.msk [tilespmem:v3+s3+$0x0], $0xffff;
	(pc) =	sbr.rel @p0 .LBB2_6-.Ltmp2, $4  }
0xfd: {  	[tilespmem:s25+$0xCC20] =	vst v4;
	v2 =	vld [tilespmem:s25+$0x440]  }
0xfe: {  	v3 =	vld.idx.msk [tilespmem:v5+s3+$0x0], $0xffff  }
0xff: {  	[tilespmem:s26+$0xCC00] =	vst v6;
	v4 =	vld [tilespmem:s26+$0x420]  }
0x100: {  	s28 =	sshra.s32 s29, $0x2;
	s29 =	sadd.s32 $0x200, s29;
	v5 =	vld.idx.msk [tilespmem:v7+s3+$0x0], $0xffff;
	[tilespmem:s24+$0xCC70] =	vst v8;
	s24 =	smov.u32 s30  }
0x101: {  	v6 =	vld [tilespmem:s28+$0x400];
	_ =	sdelay $0x5  }
0x102: {  	v7 =	vld [tilespmem:s28+$0x410];
	_ =	sdelay $0x1  }
0x103: {  	v6 =	vld.idx.msk [tilespmem:v6+s3+$0x0], $0xffff;
	_ =	sdelay $0x4  }
0x104: {  	[tilespmem:s28+$0xCC00] =	vst v6;
	v6 =	vld [tilespmem:s28+$0x420]  }
0x105: {  	v7 =	vld.idx.msk [tilespmem:v7+s3+$0x0], $0xffff;
	_ =	sdelay $0x1  }
0x106: {  	[tilespmem:s26+$0xCC10] =	vst v5;
	v5 =	vld [tilespmem:s26+$0x430]  }
0x107: {  	v4 =	vld.idx.msk [tilespmem:v4+s3+$0x0], $0xffff;
	_ =	sdelay $0x1  }
0x108: {  	[tilespmem:s28+$0xCC10] =	vst v7;
	v7 =	vld [tilespmem:s28+$0x430];
	_ =	sdelay $0x1  }
0x109: {  	v6 =	vld.idx.msk [tilespmem:v6+s3+$0x0], $0xffff  }
0x10a: {  	[tilespmem:s26+$0xCC20] =	vst v4;
	v4 =	vld [tilespmem:s26+$0x440]  }
0x10b: {  	[tilespmem:s25+$0xCC30] =	vst v3;
	v3 =	vld [tilespmem:s25+$0x450]  }
0x10c: {  	v5 =	vld.idx.msk [tilespmem:v5+s3+$0x0], $0xffff  }
0x10d: {  	v2 =	vld.idx.msk [tilespmem:v2+s3+$0x0], $0xffff  }
0x10e: {  	[tilespmem:s28+$0xCC20] =	vst v6;
	v6 =	vld [tilespmem:s28+$0x440]  }
0x10f: {  	v7 =	vld.idx.msk [tilespmem:v7+s3+$0x0], $0xffff;
	_ =	sdelay $0x1  }
0x110: {  	[tilespmem:s26+$0xCC30] =	vst v5;
	v5 =	vld [tilespmem:s26+$0x450]  }
0x111: {  	v4 =	vld.idx.msk [tilespmem:v4+s3+$0x0], $0xffff  }
0x112: {  	[tilespmem:s25+$0xCC40] =	vst v2;
	v2 =	vld [tilespmem:s25+$0x460]  }
0x113: {  	[tilespmem:s28+$0xCC30] =	vst v7;
	v7 =	vld [tilespmem:s28+$0x450]  }
0x114: {  	v3 =	vld.idx.msk [tilespmem:v3+s3+$0x0], $0xffff  }
0x115: {  	v6 =	vld.idx.msk [tilespmem:v6+s3+$0x0], $0xffff  }
0x116: {  	[tilespmem:s26+$0xCC40] =	vst v4;
	v4 =	vld [tilespmem:s26+$0x460];
	_ =	sdelay $0x1  }
0x117: {  	v5 =	vld.idx.msk [tilespmem:v5+s3+$0x0], $0xffff  }
0x118: {  	[tilespmem:s25+$0xCC50] =	vst v3;
	v3 =	vld [tilespmem:s25+$0x470]  }
0x119: {  	[tilespmem:s28+$0xCC40] =	vst v6;
	v6 =	vld [tilespmem:s28+$0x460]  }
0x11a: {  	[tilespmem:s24+$0xCC50] =	vst v1;
	v1 =	vld.idx.msk [tilespmem:v7+s3+$0x0], $0xffff  }
0x11b: {  	v2 =	vld.idx.msk [tilespmem:v2+s3+$0x0], $0xffff  }
0x11c: {  	[tilespmem:s26+$0xCC50] =	vst v5;
	v5 =	vld [tilespmem:s26+$0x470]  }
0x11d: {  	v4 =	vld.idx.msk [tilespmem:v4+s3+$0x0], $0xffff  }
0x11e: {  	v7 =	vld [tilespmem:s24+$0x470]  }
0x11f: {  	[tilespmem:s28+$0xCC50] =	vst v1;
	v1 =	vld [tilespmem:s28+$0x470]  }
0x120: {  	v0 =	vld.idx.msk [tilespmem:v0+s3+$0x0], $0xffff  }
0x121: {  	v6 =	vld.idx.msk [tilespmem:v6+s3+$0x0], $0xffff;
	_ =	sdelay $0x1  }
0x122: {  	[tilespmem:s25+$0xCC60] =	vst v2  }
0x123: {  	v2 =	vld.idx.msk [tilespmem:v3+s3+$0x0], $0xffff;
	[tilespmem:s26+$0xCC60] =	vst v4  }
0x124: {  	[tilespmem:s24+$0xCC60] =	vst v0;
	v3 =	vld.idx.msk [tilespmem:v5+s3+$0x0], $0xffff  }
0x125: {  	v0 =	vld.idx.msk [tilespmem:v7+s3+$0x0], $0xffff;
	[tilespmem:s28+$0xCC60] =	vst v6  }
0x126: {  	v1 =	vld.idx.msk [tilespmem:v1+s3+$0x0], $0xffff;
	_ =	sdelay $0x1  }
0x127: {  	[tilespmem:s25+$0xCC70] =	vst v2  }
0x128: {  	[tilespmem:s26+$0xCC70] =	vst v3  }
0x129: {  	[tilespmem:s24+$0xCC70] =	vst v0  }
0x12a: {  	[tilespmem:s28+$0xCC70] =	vst v1  }
0x12b: {  	[hbm4b:s10+s14] =	stream.strided.scatter [tilespmem:s18], [sflag:$0x3], $0x6400, s13, s14, $0x38;
	[tilespmem:$0x19400] =	vst v63  }
0x12c: {  	_ =	swait.ge [sflag:s19], $0x6400  }
0x12d: {  	[sflag:s19] =	ssyncset.done $0x0  }
0x12e: {  	[sflag:s19] =	ssyncadd.s32 $0xFFFF9C00  }
0x12f: {  	_ =	swait.ge [sflag:s22], $0x6400  }
0x130: {  	[sflag:s22] =	ssyncset.done $0x0  }
0x131: {  	s24 =	simm.s32 $0x0;
	[sflag:s22] =	ssyncadd.s32 $0xFFFF9C00  }
0x132: {  	v0 =	vld [tilespmem:s24+$0x6800];
	_ =	sdelay $0x6  }
0x133: {  	v1 =	vld [tilespmem:s24+$0x6810]  }
0x134: {  	v0 =	vld.idx.msk [tilespmem:v0+s3+$0x0], $0xffff;
	_ =	sdelay $0x1  }
0x135: {  	s25 =	simm.s32 $0x80  }
0x136: {  	v2 =	vld [tilespmem:s25+$0x6800];
	_ =	sdelay $0x1  }
0x137: {  	[tilespmem:s24+$0x13000] =	vst v0;
	v0 =	vld [tilespmem:s24+$0x6820];
	_ =	sdelay $0x1  }
0x138: {  	v1 =	vld.idx.msk [tilespmem:v1+s3+$0x0], $0xffff;
	_ =	sdelay $0x2  }
0x139: {  	v3 =	vld [tilespmem:s25+$0x6810]  }
0x13a: {  	v2 =	vld.idx.msk [tilespmem:v2+s3+$0x0], $0xffff  }
0x13b: {  	[tilespmem:s24+$0x13010] =	vst v1;
	v1 =	vld [tilespmem:s24+$0x6830]  }
0x13c: {  	v0 =	vld.idx.msk [tilespmem:v0+s3+$0x0], $0xffff;
	_ =	sdelay $0x3  }
0x13d: {  	[tilespmem:s25+$0x13000] =	vst v2;
	v2 =	vld [tilespmem:s25+$0x6820]  }
0x13e: {  	[tilespmem:s24+$0x13020] =	vst v0;
	v0 =	vld [tilespmem:s24+$0x6840]  }
0x13f: {  	v3 =	vld.idx.msk [tilespmem:v3+s3+$0x0], $0xffff  }
0x140: {  	s26 =	simm.s32 $0x100;
	v1 =	vld.idx.msk [tilespmem:v1+s3+$0x0], $0xffff  }
0x141: {  	v4 =	vld [tilespmem:s26+$0x6800];
	_ =	sdelay $0x2  }
0x142: {  	[tilespmem:s25+$0x13010] =	vst v3;
	v3 =	vld [tilespmem:s25+$0x6830]  }
0x143: {  	[tilespmem:s24+$0x13030] =	vst v1;
	v1 =	vld [tilespmem:s24+$0x6850]  }
0x144: {  	v0 =	vld.idx.msk [tilespmem:v0+s3+$0x0], $0xffff  }
0x145: {  	v2 =	vld.idx.msk [tilespmem:v2+s3+$0x0], $0xffff  }
0x146: {  	v5 =	vld [tilespmem:s26+$0x6810]  }
0x147: {  	v4 =	vld.idx.msk [tilespmem:v4+s3+$0x0], $0xffff;
	_ =	sdelay $0x1  }
0x148: {  	[tilespmem:s24+$0x13040] =	vst v0;
	v0 =	vld [tilespmem:s24+$0x6860]  }
0x149: {  	[tilespmem:s25+$0x13020] =	vst v2;
	v2 =	vld [tilespmem:s25+$0x6840]  }
0x14a: {  	v1 =	vld.idx.msk [tilespmem:v1+s3+$0x0], $0xffff  }
0x14b: {  	[tilespmem:s26+$0x13000] =	vst v4;
	v4 =	vld [tilespmem:s26+$0x6820]  }
0x14c: {  	v3 =	vld.idx.msk [tilespmem:v3+s3+$0x0], $0xffff  }
0x14d: {  	s29 =	simm.s32 $0x800;
	s28 =	simm.s32 $0x180;
	v5 =	vld.idx.msk [tilespmem:v5+s3+$0x0], $0xffff  }
.LBB2_8:
0x14e: {  	p0 =	sne.s32 s29, $0x18E00;
	v6 =	vld [tilespmem:s28+$0x6800];
	s30 =	smov.u32 s25;
	s25 =	smov.u32 s26  }
0x14f: {  	s26 =	smov.u32 s28;
	[tilespmem:s24+$0x13050] =	vst v1;
	v1 =	vld [tilespmem:s24+$0x6870]  }
0x150: {  	v0 =	vld.idx.msk [tilespmem:v0+s3+$0x0], $0xffff  }
0x151: {  	[tilespmem:s30+$0x13030] =	vst v3;
	v3 =	vld [tilespmem:s30+$0x6850]  }
0x152: {  	v2 =	vld.idx.msk [tilespmem:v2+s3+$0x0], $0xffff  }
0x153: {  	[tilespmem:s25+$0x13010] =	vst v5;
	v5 =	vld [tilespmem:s25+$0x6830]  }
0x154: {  	v4 =	vld.idx.msk [tilespmem:v4+s3+$0x0], $0xffff  }
0x155: {  	v7 =	vld [tilespmem:s26+$0x6810]  }
0x156: {  	v6 =	vld.idx.msk [tilespmem:v6+s3+$0x0], $0xffff;
	[tilespmem:s24+$0x13060] =	vst v0  }
0x157: {  	v8 =	vld.idx.msk [tilespmem:v1+s3+$0x0], $0xffff  }
0x158: {  	[tilespmem:s30+$0x13040] =	vst v2;
	v0 =	vld [tilespmem:s30+$0x6860]  }
.Ltmp3:
0x159: {  	v1 =	vld.idx.msk [tilespmem:v3+s3+$0x0], $0xffff;
	(pc) =	sbr.rel @p0 .LBB2_8-.Ltmp3, $4  }
0x15a: {  	[tilespmem:s25+$0x13020] =	vst v4;
	v2 =	vld [tilespmem:s25+$0x6840]  }
0x15b: {  	v3 =	vld.idx.msk [tilespmem:v5+s3+$0x0], $0xffff  }
0x15c: {  	[tilespmem:s26+$0x13000] =	vst v6;
	v4 =	vld [tilespmem:s26+$0x6820]  }
0x15d: {  	s28 =	sshra.s32 s29, $0x2;
	s29 =	sadd.s32 $0x200, s29;
	v5 =	vld.idx.msk [tilespmem:v7+s3+$0x0], $0xffff;
	[tilespmem:s24+$0x13070] =	vst v8;
	s24 =	smov.u32 s30  }
0x15e: {  	v6 =	vld [tilespmem:s28+$0x6800];
	_ =	sdelay $0x5  }
0x15f: {  	v7 =	vld [tilespmem:s28+$0x6810];
	_ =	sdelay $0x1  }
0x160: {  	v6 =	vld.idx.msk [tilespmem:v6+s3+$0x0], $0xffff;
	_ =	sdelay $0x3  }
0x161: {  	v47 =	vld [tilespmem:s28+$0x6820]  }
0x162: {  	[tilespmem:s28+$0x13000] =	vst v6  }
0x163: {  	v7 =	vld.idx.msk [tilespmem:v7+s3+$0x0], $0xffff;
	_ =	sdelay $0x2  }
0x164: {  	v48 =	vld [tilespmem:s26+$0x6830]  }
0x165: {  	v49 =	vld [tilespmem:s28+$0x6830];
	[tilespmem:s26+$0x13010] =	vst v5  }
0x166: {  	v4 =	vld.idx.msk [tilespmem:v4+s3+$0x0], $0xffff;
	[tilespmem:s28+$0x13010] =	vst v7  }
0x167: {  	v6 =	vld.idx.msk [tilespmem:v47+s3+$0x0], $0xffff  }
0x168: {  	v50 =	vld [tilespmem:s26+$0x6840]  }
0x169: {  	v51 =	vld [tilespmem:s28+$0x6840]  }
0x16a: {  	v52 =	vld [tilespmem:s25+$0x6850]  }
0x16b: {  	v53 =	vld [tilespmem:s26+$0x6850];
	[tilespmem:s26+$0x13020] =	vst v4  }
0x16c: {  	v5 =	vld.idx.msk [tilespmem:v48+s3+$0x0], $0xffff;
	[tilespmem:s28+$0x13020] =	vst v6  }
0x16d: {  	v7 =	vld.idx.msk [tilespmem:v49+s3+$0x0], $0xffff  }
0x16e: {  	v54 =	vld [tilespmem:s28+$0x6850]  }
0x16f: {  	v55 =	vld [tilespmem:s25+$0x6860]  }
0x170: {  	v56 =	vld [tilespmem:s26+$0x6860];
	[tilespmem:s25+$0x13030] =	vst v3  }
0x171: {  	v2 =	vld.idx.msk [tilespmem:v2+s3+$0x0], $0xffff;
	[tilespmem:s26+$0x13030] =	vst v5  }
0x172: {  	v4 =	vld.idx.msk [tilespmem:v50+s3+$0x0], $0xffff;
	[tilespmem:s28+$0x13030] =	vst v7  }
0x173: {  	v6 =	vld.idx.msk [tilespmem:v51+s3+$0x0], $0xffff  }
0x174: {  	v57 =	vld [tilespmem:s28+$0x6860]  }
0x175: {  	v59 =	vld [tilespmem:s24+$0x6870]  }
0x176: {  	v60 =	vld [tilespmem:s25+$0x6870];
	[tilespmem:s25+$0x13040] =	vst v2  }
0x177: {  	v3 =	vld.idx.msk [tilespmem:v52+s3+$0x0], $0xffff;
	[tilespmem:s26+$0x13040] =	vst v4  }
0x178: {  	v5 =	vld.idx.msk [tilespmem:v53+s3+$0x0], $0xffff;
	[tilespmem:s28+$0x13040] =	vst v6  }
0x179: {  	v58 =	vld.idx.msk [tilespmem:v54+s3+$0x0], $0xffff  }
0x17a: {  	v61 =	vld [tilespmem:s26+$0x6870]  }
0x17b: {  	[tilespmem:s24+$0x13050] =	vst v1;
	v62 =	vld [tilespmem:s28+$0x6870]  }
0x17c: {  	v0 =	vld.idx.msk [tilespmem:v0+s3+$0x0], $0xffff;
	[tilespmem:s25+$0x13050] =	vst v3  }
0x17d: {  	v2 =	vld.idx.msk [tilespmem:v55+s3+$0x0], $0xffff;
	[tilespmem:s26+$0x13050] =	vst v5  }
0x17e: {  	v4 =	vld.idx.msk [tilespmem:v56+s3+$0x0], $0xffff;
	[tilespmem:s28+$0x13050] =	vst v58  }
0x17f: {  	v6 =	vld.idx.msk [tilespmem:v57+s3+$0x0], $0xffff;
	_ =	sdelay $0x1  }
0x180: {  	[tilespmem:s24+$0x13060] =	vst v0  }
0x181: {  	v0 =	vld.idx.msk [tilespmem:v59+s3+$0x0], $0xffff;
	[tilespmem:s25+$0x13060] =	vst v2  }
0x182: {  	v2 =	vld.idx.msk [tilespmem:v60+s3+$0x0], $0xffff;
	[tilespmem:s26+$0x13060] =	vst v4  }
0x183: {  	v63 =	vld.idx.msk [tilespmem:v61+s3+$0x0], $0xffff;
	[tilespmem:s28+$0x13060] =	vst v6  }
0x184: {  	v1 =	vld.idx.msk [tilespmem:v62+s3+$0x0], $0xffff;
	_ =	sdelay $0x1  }
0x185: {  	[tilespmem:s24+$0x13070] =	vst v0  }
0x186: {  	[tilespmem:s25+$0x13070] =	vst v2  }
0x187: {  	[tilespmem:s26+$0x13070] =	vst v63  }
0x188: {  	s23 =	sadd.s32 $0x1, s23;
	[tilespmem:s28+$0x13070] =	vst v1  }
0x189: {  	[hbm4b:s11+s14] =	stream.strided.scatter [tilespmem:s20], [sflag:$0x4], $0x6400, s13, s14, $0x38;
	[tilespmem:$0x19400] =	vst v63  }
0x18a: {  	p0 =	sne.s32 s23, s12;
	_ =	swait.ge [sflag:s21], $0x6400  }
.Ltmp4:
0x18b: {  	[sflag:s21] =	ssyncset.done $0x0;
	(pc) =	sbr.rel @p0 .LBB2_1-.Ltmp4, $4  }
0x18c: {  	[sflag:s21] =	ssyncadd.s32 $0xFFFF9C00  }
0x18d: {  	_ =	swait.ge [sflag:s22], $0x6400  }
0x18e: {  	[sflag:s22] =	ssyncset.done $0x0  }
0x18f: {  	[sflag:s22] =	ssyncadd.s32 $0xFFFF9C00  }
0x190: {  	_ =	sfence.sel $0x180000  }
0x191: {  	[bflag:$0x0] =	sbarrier.arrive $0xFFFF  }
0x192: {  	p0 =	sne.s32 s2, $0x0;
	_ =	strace $0x90000047  }
0x193: {  	s0 =	sadd.s32 @!p0 $0x100000, s0;
	[bflag:$0x2] =	sbarrier.arrive $0xFFFF  }
0x194: {  	[sflag:s0] =	ssyncadd.tile.s32 @!p0 $0x1;
	_ =	shalt  }
.Lfunc_end2:
_tile_overlayer_lowered:
.L_overlay_start_2:
0x195: {  	(tag) =	ssettag $0x2  }
0x196: {  	s0 =	rddreg [dreg:$0x0];
	s2 =	stileid.u32  }
0x197: {  	s1 =	rddreg [dreg:$0x1];
	p0 =	sne.s32 s2, $0x0  }
0x198: {  	s3 =	rddreg [dreg:$0x2];
	[bflag:$0x3] =	sbarrier.arrive $0xFFFF;
	s2 =	simm.s32 @!p0 $0x1C05  }
0x199: {  	[timem:s3], [sflag:s2] =	dma.local @!p0 [hbm:s0], s1  }
0x19a: {  	s0 =	simm.s32 @!p0 $0x5  }
0x19b: {  	_ =	swait.ge @!p0 [sflag:s0], s1  }
0x19c: {  	s1 =	ssub.s32 @!p0 $0x0, s1;
	[sflag:s0] =	ssyncset.done @!p0 $0x0  }
0x19d: {  	[sflag:s0] =	ssyncadd.s32 @!p0 s1  }
0x19e: {  	[bflag:$0x3] =	sbarrier.arrive $0xFFFF  }
0x19f: {  	_ =	shalt  }

</sc_bundles>
